<compile_context>
chip_gen: v7x
topology: tpu7x:2x2x1
jax: 0.10.2.dev20260603
libtpu: 0.0.44.dev20260713+nightly
codegen_flags: <defaults>
</compile_context>

<pallas_src>
import functools

import jax
import jax.numpy as jnp
from jax import lax
from jax.experimental import pallas as pl
from jax.experimental.pallas import tpu as pltpu
from jax.experimental.pallas import tpu_sc as plsc

_N_BATCHES = 8
_N_CELLS = 4096
_LATENT = 256
_BLOCK1 = 512
_BLOCK3 = 1024
_DIAG = 10000000000.0
_GROUPS = 128
_SUBGROUPS = 256
_ROWS_PER_W = 128


def _dist_body(e_ref, et_ref, g16_ref, g32_ref):
    i = pl.program_id(0)
    e = e_ref[...]
    et = et_ref[...]
    g = jnp.dot(e, et, preferred_element_type=jnp.float32)
    sq_rows = jnp.sum(e * e, axis=1, keepdims=True)
    sq_cols = jnp.sum(et * et, axis=0, keepdims=True)
    d = sq_rows + sq_cols - 2.0 * g
    col_ids = jax.lax.broadcasted_iota(jnp.int32, d.shape, 1)
    row_ids = jax.lax.broadcasted_iota(jnp.int32, d.shape, 0) + i * _BLOCK1
    d = jnp.where(col_ids == row_ids, d + _DIAG, d)
    g16 = jnp.min(d.reshape(_BLOCK1 // 16, 16, _N_CELLS), axis=1)
    g16_ref[...] = g16
    g32_ref[...] = jnp.min(g16.reshape(_BLOCK1 // 32, 2, _N_CELLS), axis=1)


def _vmerge(a, b):
    lo = jnp.minimum(a, lax.rev(b, (0,)))
    return lax.sort(lo, dimension=0)


def _vtree(chunks):
    while len(chunks) > 1:
        chunks = [_vmerge(chunks[t], chunks[t + 1])
                  for t in range(0, len(chunks), 2)]
    return chunks[0]


def _id_key(k, ids, bits):
    raw = plsc.bitcast(k, jnp.int32)
    mask = (1 << bits) - 1
    return plsc.bitcast((raw & ~mask) | ids, jnp.float32)


def _sc_select_body(g16_hbm, g32_hbm, out_hbm, g16_v, g32_v, out_v):
    wid = lax.axis_index("s") * 2 + lax.axis_index("c")
    row0 = wid * _ROWS_PER_W
    pltpu.sync_copy(g32_hbm.at[:, pl.ds(row0, _ROWS_PER_W)], g32_v)
    pltpu.sync_copy(g16_hbm.at[:, pl.ds(row0, _ROWS_PER_W)], g16_v)
    iota16 = lax.broadcasted_iota(jnp.int32, (16,), 0)

    def row_body(rr, carry):
        rvec = iota16 * 0 + rr
        ks = []
        for c in range(8):
            k = plsc.load_gather(g32_v, [iota16 + c * 16, rvec])
            ks.append(lax.sort(_id_key(k, iota16 + c * 16, 7), dimension=0))
        gids = plsc.bitcast(_vtree(ks), jnp.int32) & 127
        g2 = gids * 2
        kb = []
        for h in range(2):
            k = plsc.load_gather(g16_v, [g2 + h, rvec])
            kb.append(lax.sort(k, dimension=0))
        out_v[rr, :] = _vmerge(kb[0], kb[1])
        return carry

    lax.fori_loop(0, _ROWS_PER_W, row_body, 0)
    pltpu.sync_copy(out_v, out_hbm.at[pl.ds(row0, _ROWS_PER_W)])


def _comb_body(e_ref, et_ref, b16_ref, lab_ref, out_ref):
    i = pl.program_id(0)
    e = e_ref[...]
    et = et_ref[...]
    g = jnp.dot(e, et, preferred_element_type=jnp.float32)
    sq_rows = jnp.sum(e * e, axis=1, keepdims=True)
    sq_cols = jnp.sum(et * et, axis=0, keepdims=True)
    d = sq_rows + sq_cols - 2.0 * g
    col_ids = jax.lax.broadcasted_iota(jnp.int32, d.shape, 1)
    row_ids = jax.lax.broadcasted_iota(jnp.int32, d.shape, 0) + i * _BLOCK3
    d = jnp.where(col_ids == row_ids, d + _DIAG, d)
    b16 = b16_ref[...]
    m = b16[:, 0:1]
    thresh = b16[:, 14:15]
    w = jnp.exp(m - d)
    wm = jnp.where(d <= thresh, w, 0.0)
    lab = lab_ref[...]
    onehot = (lab == jax.lax.broadcasted_iota(
        jnp.int32, (_N_CELLS, _N_BATCHES), 1)).astype(jnp.float32)
    bsum = jnp.dot(wm, onehot, preferred_element_type=jnp.float32)
    s = jnp.sum(bsum, axis=1, keepdims=True)
    p = bsum / s
    ent = -jnp.sum(p * jnp.log(p + 1e-8), axis=1)
    nent = ent / (jnp.log(jnp.float32(_N_BATCHES)) + 1e-8)

    @pl.when(i == 0)
    def _():
        out_ref[...] = jnp.zeros((1, 1), jnp.float32)
    out_ref[...] += jnp.sum(nent).reshape(1, 1)


def kernel(embeddings, batch_labels):
    et = embeddings.T
    lab = batch_labels.reshape(_N_CELLS, 1).astype(jnp.int32)

    g16, g32 = pl.pallas_call(
        _dist_body,
        grid=(_N_CELLS // _BLOCK1,),
        in_specs=[
            pl.BlockSpec((_BLOCK1, _LATENT), lambda i: (i, 0)),
            pl.BlockSpec((_LATENT, _N_CELLS), lambda i: (0, 0)),
        ],
        out_specs=[
            pl.BlockSpec((_BLOCK1 // 16, _N_CELLS), lambda i: (i, 0)),
            pl.BlockSpec((_BLOCK1 // 32, _N_CELLS), lambda i: (i, 0)),
        ],
        out_shape=[
            jax.ShapeDtypeStruct((_SUBGROUPS, _N_CELLS), jnp.float32),
            jax.ShapeDtypeStruct((_GROUPS, _N_CELLS), jnp.float32),
        ],
    )(embeddings, et)

    mesh = plsc.VectorSubcoreMesh(core_axis_name="c", subcore_axis_name="s")
    b16 = functools.partial(
        pl.kernel,
        mesh=mesh,
        compiler_params=pltpu.CompilerParams(needs_layout_passes=False),
        out_type=jax.ShapeDtypeStruct((_N_CELLS, 16), jnp.float32),
        scratch_types=[
            pltpu.VMEM((_SUBGROUPS, _ROWS_PER_W), jnp.float32),
            pltpu.VMEM((_GROUPS, _ROWS_PER_W), jnp.float32),
            pltpu.VMEM((_ROWS_PER_W, 16), jnp.float32),
        ],
    )(_sc_select_body)(g16, g32)

    acc = pl.pallas_call(
        _comb_body,
        grid=(_N_CELLS // _BLOCK3,),
        in_specs=[
            pl.BlockSpec((_BLOCK3, _LATENT), lambda i: (i, 0)),
            pl.BlockSpec((_LATENT, _N_CELLS), lambda i: (0, 0)),
            pl.BlockSpec((_BLOCK3, 16), lambda i: (i, 0)),
            pl.BlockSpec((_N_CELLS, 1), lambda i: (0, 0)),
        ],
        out_specs=pl.BlockSpec((1, 1), lambda i: (0, 0)),
        out_shape=jax.ShapeDtypeStruct((1, 1), jnp.float32),
    )(embeddings, et, b16, lab)
    return -acc[0, 0] / _N_CELLS

# --- scband reference (transcript-rebuilt; emitter-appended) ---
"""Pipeline reference for scband-batch-mixing-loss-25821343383695 (READ-ONLY COPY).

The authoritative reference and input builder live on the scoring server;
editing this copy changes nothing except your own understanding.
"""

import jax, jax.numpy as jnp
import numpy as np

N_NEIGHBORS = 15
N_BATCHES = 8
TEMPERATURE = 1.0
N_CELLS = 4096
LATENT_DIM = 256


def setup_inputs(seed: int = 0) -> dict:
    key = jax.random.key(seed)
    k1, k2 = jax.random.split(key)
    embeddings = jax.random.normal(k1, (N_CELLS, LATENT_DIM), dtype=jnp.float32)
    batch_labels = jax.random.randint(k2, (N_CELLS,), 0, N_BATCHES, dtype=jnp.int64 if jax.config.jax_enable_x64 else jnp.int32).astype(jnp.int32)
    return {"embeddings": embeddings, "batch_labels": batch_labels}


def reference(embeddings, batch_labels):
    n_cells = embeddings.shape[0]
    n_batches = N_BATCHES
    sq_norms = jnp.sum(embeddings ** 2, axis=-1)
    distances = sq_norms[:, None] + sq_norms[None, :] - 2 * embeddings @ embeddings.T
    distances = distances + jnp.eye(n_cells) * 10000000000.0
    neighbor_weights = jax.nn.softmax(-distances / TEMPERATURE, axis=-1)
    sorted_indices = jnp.argsort(distances, axis=-1)
    k_mask = jnp.zeros((n_cells, n_cells))
    k_mask = k_mask.at[jnp.arange(n_cells)[:, None], sorted_indices[:, :N_NEIGHBORS]].set(1.0)
    neighbor_weights = neighbor_weights * k_mask
    neighbor_weights = neighbor_weights / (neighbor_weights.sum(axis=-1, keepdims=True) + 1e-08)
    batch_onehot = jax.nn.one_hot(batch_labels, n_batches)
    batch_dist = neighbor_weights @ batch_onehot
    eps = 1e-08
    entropy = -jnp.sum(batch_dist * jnp.log(batch_dist + eps), axis=-1)
    max_entropy = jnp.log(jnp.array(n_batches, dtype=jnp.float32))
    normalized_entropy = entropy / (max_entropy + eps)
    return -jnp.mean(normalized_entropy)

if __name__ == "__main__":
    import jax
    _d = setup_inputs()
    print(jax.jit(kernel)(*tuple(_d.values())))

</pallas_src>

<mosaic_0001>
#map = affine_map<(d0, d1) -> (0, 0)>
module attributes {stable_mosaic.version = 14 : i64} {
  func.func @_sc_select_body(%arg0: i32, %arg1: i32, %arg2: memref<256x4096xf32, #tpu.memory_space<hbm>>, %arg3: memref<128x4096xf32, #tpu.memory_space<hbm>>, %arg4: memref<4096x16xf32, #tpu.memory_space<hbm>>, %arg5: memref<256x128xf32, #tpu.memory_space<vmem>>, %arg6: memref<128x128xf32, #tpu.memory_space<vmem>>, %arg7: memref<128x16xf32, #tpu.memory_space<vmem>>) attributes {dimension_semantics = [#tpu.dimension_semantics<core_parallel>, #tpu.dimension_semantics<subcore_parallel>], iteration_bounds = array<i64: 2, 16>, scalar_prefetch = 0 : i64, scratch_operands = 3 : i64, tpu.core_type = #tpu.core_type<sc_vector_subcore>, window_params = [{transform_indices = #map}, {transform_indices = #map}, {transform_indices = #map}]} {
    %mul3A = arith.constant 2 : i32
    %mul3A_0 = arith.muli %arg1, %mul3A : i32
    %add3A = arith.addi %mul3A_0, %arg0 : i32
    %mul3A_1 = arith.constant 128 : i32
    %mul3A_2 = arith.muli %add3A, %mul3A_1 : i32
    "tpu.region"() ({
      %run_scoped3A = tpu.sem_alloc : memref<!tpu.dma_semaphore, #tpu.memory_space<semaphore_mem>>
      %dma_start3A = arith.constant 0 : i32
      %dma_start3A_8 = tpu.memref_slice %arg3[%dma_start3A, %mul3A_2] : memref<128x4096xf32, #tpu.memory_space<hbm>> -> memref<128x128xf32, #tpu.memory_space<hbm>>
      %dma_start3A_9 = arith.constant 0 : i32
      %dma_start3A_10 = tpu.memref_slice %arg3[%dma_start3A_9, %mul3A_2] : memref<128x4096xf32, #tpu.memory_space<hbm>> -> memref<128x128xf32, #tpu.memory_space<hbm>>
      tpu.enqueue_dma source(%dma_start3A_10 : memref<128x128xf32, #tpu.memory_space<hbm>>) target(%arg6 : memref<128x128xf32, #tpu.memory_space<vmem>>) target_semaphore(%run_scoped3A : memref<!tpu.dma_semaphore, #tpu.memory_space<semaphore_mem>>)
      %dma_wait3A = arith.constant 0 : i32
      %dma_wait3A_11 = tpu.memref_slice %arg3[%dma_wait3A, %mul3A_2] : memref<128x4096xf32, #tpu.memory_space<hbm>> -> memref<128x128xf32, #tpu.memory_space<hbm>>
      %dma_wait3A_12 = arith.constant 0 : i32
      %dma_wait3A_13 = tpu.memref_slice %arg3[%dma_wait3A_12, %mul3A_2] : memref<128x4096xf32, #tpu.memory_space<hbm>> -> memref<128x128xf32, #tpu.memory_space<hbm>>
      tpu.wait_dma2 semaphore(%run_scoped3A : memref<!tpu.dma_semaphore, #tpu.memory_space<semaphore_mem>>) src(%dma_wait3A_13 : memref<128x128xf32, #tpu.memory_space<hbm>>) dst(%arg6 : memref<128x128xf32, #tpu.memory_space<vmem>>)
      tpu.yield
    }) : () -> ()
    "tpu.region"() ({
      %run_scoped3A = tpu.sem_alloc : memref<!tpu.dma_semaphore, #tpu.memory_space<semaphore_mem>>
      %dma_start3A = arith.constant 0 : i32
      %dma_start3A_8 = tpu.memref_slice %arg2[%dma_start3A, %mul3A_2] : memref<256x4096xf32, #tpu.memory_space<hbm>> -> memref<256x128xf32, #tpu.memory_space<hbm>>
      %dma_start3A_9 = arith.constant 0 : i32
      %dma_start3A_10 = tpu.memref_slice %arg2[%dma_start3A_9, %mul3A_2] : memref<256x4096xf32, #tpu.memory_space<hbm>> -> memref<256x128xf32, #tpu.memory_space<hbm>>
      tpu.enqueue_dma source(%dma_start3A_10 : memref<256x128xf32, #tpu.memory_space<hbm>>) target(%arg5 : memref<256x128xf32, #tpu.memory_space<vmem>>) target_semaphore(%run_scoped3A : memref<!tpu.dma_semaphore, #tpu.memory_space<semaphore_mem>>)
      %dma_wait3A = arith.constant 0 : i32
      %dma_wait3A_11 = tpu.memref_slice %arg2[%dma_wait3A, %mul3A_2] : memref<256x4096xf32, #tpu.memory_space<hbm>> -> memref<256x128xf32, #tpu.memory_space<hbm>>
      %dma_wait3A_12 = arith.constant 0 : i32
      %dma_wait3A_13 = tpu.memref_slice %arg2[%dma_wait3A_12, %mul3A_2] : memref<256x4096xf32, #tpu.memory_space<hbm>> -> memref<256x128xf32, #tpu.memory_space<hbm>>
      tpu.wait_dma2 semaphore(%run_scoped3A : memref<!tpu.dma_semaphore, #tpu.memory_space<semaphore_mem>>) src(%dma_wait3A_13 : memref<256x128xf32, #tpu.memory_space<hbm>>) dst(%arg5 : memref<256x128xf32, #tpu.memory_space<vmem>>)
      tpu.yield
    }) : () -> ()
    %iota3A = tpu.iota {dimensions = array<i32: 0>} : vector<16xi32>
    %scan3A = arith.constant 0 : i32
    %scan3A_3 = arith.constant 0 : i32
    %scan3A_4 = arith.constant 128 : i32
    %scan3A_5 = arith.addi %scan3A_3, %scan3A_4 : i32
    %scan3A_6 = arith.constant 1 : i32
    scf.for %scan3A_8 = %scan3A_3 to %scan3A_5 step %scan3A_6  : i32 {
      %mul3A_9 = arith.constant 0 : i32
      %mul3A_10 = vector.broadcast %mul3A_9 : i32 to vector<16xi32>
      %mul3A_11 = arith.muli %iota3A, %mul3A_10 : vector<16xi32>
      %add3A_12 = vector.broadcast %scan3A_8 : i32 to vector<16xi32>
      %add3A_13 = arith.addi %mul3A_11, %add3A_12 : vector<16xi32>
      %add3A_14 = arith.constant 0 : i32
      %add3A_15 = vector.broadcast %add3A_14 : i32 to vector<16xi32>
      %add3A_16 = arith.addi %iota3A, %add3A_15 : vector<16xi32>
      %gather3A = tpu.vector_load_idx %arg6[%add3A_16, %add3A_13] : memref<128x128xf32, #tpu.memory_space<vmem>>[vector<16xi32>, vector<16xi32>], vector<16xf32>,
      %add3A_17 = arith.constant 0 : i32
      %add3A_18 = vector.broadcast %add3A_17 : i32 to vector<16xi32>
      %add3A_19 = arith.addi %iota3A, %add3A_18 : vector<16xi32>
      %bitcast3A = vector.bitcast %gather3A : vector<16xf32> to vector<16xi32>
      %and3A = arith.constant -128 : i32
      %and3A_20 = vector.broadcast %and3A : i32 to vector<16xi32>
      %and3A_21 = arith.andi %bitcast3A, %and3A_20 : vector<16xi32>
      %or3A = arith.ori %and3A_21, %add3A_19 : vector<16xi32>
      %bitcast3A_22 = vector.bitcast %or3A : vector<16xi32> to vector<16xf32>
      %sort3A = arith.constant dense<true> : vector<16xi1>
      %sort3A_23, %sort3A_24, %sort3A_25 = tpu.sort %bitcast3A_22, %bitcast3A_22 masked %sort3A : (vector<16xf32>, vector<16xf32>, vector<16xi1>) -> (vector<16xi1>, vector<16xf32>, vector<16xf32>)
      %add3A_26 = arith.constant 16 : i32
      %add3A_27 = vector.broadcast %add3A_26 : i32 to vector<16xi32>
      %add3A_28 = arith.addi %iota3A, %add3A_27 : vector<16xi32>
      %gather3A_29 = tpu.vector_load_idx %arg6[%add3A_28, %add3A_13] : memref<128x128xf32, #tpu.memory_space<vmem>>[vector<16xi32>, vector<16xi32>], vector<16xf32>,
      %add3A_30 = arith.constant 16 : i32
      %add3A_31 = vector.broadcast %add3A_30 : i32 to vector<16xi32>
      %add3A_32 = arith.addi %iota3A, %add3A_31 : vector<16xi32>
      %bitcast3A_33 = vector.bitcast %gather3A_29 : vector<16xf32> to vector<16xi32>
      %and3A_34 = arith.constant -128 : i32
      %and3A_35 = vector.broadcast %and3A_34 : i32 to vector<16xi32>
      %and3A_36 = arith.andi %bitcast3A_33, %and3A_35 : vector<16xi32>
      %or3A_37 = arith.ori %and3A_36, %add3A_32 : vector<16xi32>
      %bitcast3A_38 = vector.bitcast %or3A_37 : vector<16xi32> to vector<16xf32>
      %sort3A_39 = arith.constant dense<true> : vector<16xi1>
      %sort3A_40, %sort3A_41, %sort3A_42 = tpu.sort %bitcast3A_38, %bitcast3A_38 masked %sort3A_39 : (vector<16xf32>, vector<16xf32>, vector<16xi1>) -> (vector<16xi1>, vector<16xf32>, vector<16xf32>)
      %add3A_43 = arith.constant 32 : i32
      %add3A_44 = vector.broadcast %add3A_43 : i32 to vector<16xi32>
      %add3A_45 = arith.addi %iota3A, %add3A_44 : vector<16xi32>
      %gather3A_46 = tpu.vector_load_idx %arg6[%add3A_45, %add3A_13] : memref<128x128xf32, #tpu.memory_space<vmem>>[vector<16xi32>, vector<16xi32>], vector<16xf32>,
      %add3A_47 = arith.constant 32 : i32
      %add3A_48 = vector.broadcast %add3A_47 : i32 to vector<16xi32>
      %add3A_49 = arith.addi %iota3A, %add3A_48 : vector<16xi32>
      %bitcast3A_50 = vector.bitcast %gather3A_46 : vector<16xf32> to vector<16xi32>
      %and3A_51 = arith.constant -128 : i32
      %and3A_52 = vector.broadcast %and3A_51 : i32 to vector<16xi32>
      %and3A_53 = arith.andi %bitcast3A_50, %and3A_52 : vector<16xi32>
      %or3A_54 = arith.ori %and3A_53, %add3A_49 : vector<16xi32>
      %bitcast3A_55 = vector.bitcast %or3A_54 : vector<16xi32> to vector<16xf32>
      %sort3A_56 = arith.constant dense<true> : vector<16xi1>
      %sort3A_57, %sort3A_58, %sort3A_59 = tpu.sort %bitcast3A_55, %bitcast3A_55 masked %sort3A_56 : (vector<16xf32>, vector<16xf32>, vector<16xi1>) -> (vector<16xi1>, vector<16xf32>, vector<16xf32>)
      %add3A_60 = arith.constant 48 : i32
      %add3A_61 = vector.broadcast %add3A_60 : i32 to vector<16xi32>
      %add3A_62 = arith.addi %iota3A, %add3A_61 : vector<16xi32>
      %gather3A_63 = tpu.vector_load_idx %arg6[%add3A_62, %add3A_13] : memref<128x128xf32, #tpu.memory_space<vmem>>[vector<16xi32>, vector<16xi32>], vector<16xf32>,
      %add3A_64 = arith.constant 48 : i32
      %add3A_65 = vector.broadcast %add3A_64 : i32 to vector<16xi32>
      %add3A_66 = arith.addi %iota3A, %add3A_65 : vector<16xi32>
      %bitcast3A_67 = vector.bitcast %gather3A_63 : vector<16xf32> to vector<16xi32>
      %and3A_68 = arith.constant -128 : i32
      %and3A_69 = vector.broadcast %and3A_68 : i32 to vector<16xi32>
      %and3A_70 = arith.andi %bitcast3A_67, %and3A_69 : vector<16xi32>
      %or3A_71 = arith.ori %and3A_70, %add3A_66 : vector<16xi32>
      %bitcast3A_72 = vector.bitcast %or3A_71 : vector<16xi32> to vector<16xf32>
      %sort3A_73 = arith.constant dense<true> : vector<16xi1>
      %sort3A_74, %sort3A_75, %sort3A_76 = tpu.sort %bitcast3A_72, %bitcast3A_72 masked %sort3A_73 : (vector<16xf32>, vector<16xf32>, vector<16xi1>) -> (vector<16xi1>, vector<16xf32>, vector<16xf32>)
      %add3A_77 = arith.constant 64 : i32
      %add3A_78 = vector.broadcast %add3A_77 : i32 to vector<16xi32>
      %add3A_79 = arith.addi %iota3A, %add3A_78 : vector<16xi32>
      %gather3A_80 = tpu.vector_load_idx %arg6[%add3A_79, %add3A_13] : memref<128x128xf32, #tpu.memory_space<vmem>>[vector<16xi32>, vector<16xi32>], vector<16xf32>,
      %add3A_81 = arith.constant 64 : i32
      %add3A_82 = vector.broadcast %add3A_81 : i32 to vector<16xi32>
      %add3A_83 = arith.addi %iota3A, %add3A_82 : vector<16xi32>
      %bitcast3A_84 = vector.bitcast %gather3A_80 : vector<16xf32> to vector<16xi32>
      %and3A_85 = arith.constant -128 : i32
      %and3A_86 = vector.broadcast %and3A_85 : i32 to vector<16xi32>
      %and3A_87 = arith.andi %bitcast3A_84, %and3A_86 : vector<16xi32>
      %or3A_88 = arith.ori %and3A_87, %add3A_83 : vector<16xi32>
      %bitcast3A_89 = vector.bitcast %or3A_88 : vector<16xi32> to vector<16xf32>
      %sort3A_90 = arith.constant dense<true> : vector<16xi1>
      %sort3A_91, %sort3A_92, %sort3A_93 = tpu.sort %bitcast3A_89, %bitcast3A_89 masked %sort3A_90 : (vector<16xf32>, vector<16xf32>, vector<16xi1>) -> (vector<16xi1>, vector<16xf32>, vector<16xf32>)
      %add3A_94 = arith.constant 80 : i32
      %add3A_95 = vector.broadcast %add3A_94 : i32 to vector<16xi32>
      %add3A_96 = arith.addi %iota3A, %add3A_95 : vector<16xi32>
      %gather3A_97 = tpu.vector_load_idx %arg6[%add3A_96, %add3A_13] : memref<128x128xf32, #tpu.memory_space<vmem>>[vector<16xi32>, vector<16xi32>], vector<16xf32>,
      %add3A_98 = arith.constant 80 : i32
      %add3A_99 = vector.broadcast %add3A_98 : i32 to vector<16xi32>
      %add3A_100 = arith.addi %iota3A, %add3A_99 : vector<16xi32>
      %bitcast3A_101 = vector.bitcast %gather3A_97 : vector<16xf32> to vector<16xi32>
      %and3A_102 = arith.constant -128 : i32
      %and3A_103 = vector.broadcast %and3A_102 : i32 to vector<16xi32>
      %and3A_104 = arith.andi %bitcast3A_101, %and3A_103 : vector<16xi32>
      %or3A_105 = arith.ori %and3A_104, %add3A_100 : vector<16xi32>
      %bitcast3A_106 = vector.bitcast %or3A_105 : vector<16xi32> to vector<16xf32>
      %sort3A_107 = arith.constant dense<true> : vector<16xi1>
      %sort3A_108, %sort3A_109, %sort3A_110 = tpu.sort %bitcast3A_106, %bitcast3A_106 masked %sort3A_107 : (vector<16xf32>, vector<16xf32>, vector<16xi1>) -> (vector<16xi1>, vector<16xf32>, vector<16xf32>)
      %add3A_111 = arith.constant 96 : i32
      %add3A_112 = vector.broadcast %add3A_111 : i32 to vector<16xi32>
      %add3A_113 = arith.addi %iota3A, %add3A_112 : vector<16xi32>
      %gather3A_114 = tpu.vector_load_idx %arg6[%add3A_113, %add3A_13] : memref<128x128xf32, #tpu.memory_space<vmem>>[vector<16xi32>, vector<16xi32>], vector<16xf32>,
      %add3A_115 = arith.constant 96 : i32
      %add3A_116 = vector.broadcast %add3A_115 : i32 to vector<16xi32>
      %add3A_117 = arith.addi %iota3A, %add3A_116 : vector<16xi32>
      %bitcast3A_118 = vector.bitcast %gather3A_114 : vector<16xf32> to vector<16xi32>
      %and3A_119 = arith.constant -128 : i32
      %and3A_120 = vector.broadcast %and3A_119 : i32 to vector<16xi32>
      %and3A_121 = arith.andi %bitcast3A_118, %and3A_120 : vector<16xi32>
      %or3A_122 = arith.ori %and3A_121, %add3A_117 : vector<16xi32>
      %bitcast3A_123 = vector.bitcast %or3A_122 : vector<16xi32> to vector<16xf32>
      %sort3A_124 = arith.constant dense<true> : vector<16xi1>
      %sort3A_125, %sort3A_126, %sort3A_127 = tpu.sort %bitcast3A_123, %bitcast3A_123 masked %sort3A_124 : (vector<16xf32>, vector<16xf32>, vector<16xi1>) -> (vector<16xi1>, vector<16xf32>, vector<16xf32>)
      %add3A_128 = arith.constant 112 : i32
      %add3A_129 = vector.broadcast %add3A_128 : i32 to vector<16xi32>
      %add3A_130 = arith.addi %iota3A, %add3A_129 : vector<16xi32>
      %gather3A_131 = tpu.vector_load_idx %arg6[%add3A_130, %add3A_13] : memref<128x128xf32, #tpu.memory_space<vmem>>[vector<16xi32>, vector<16xi32>], vector<16xf32>,
      %add3A_132 = arith.constant 112 : i32
      %add3A_133 = vector.broadcast %add3A_132 : i32 to vector<16xi32>
      %add3A_134 = arith.addi %iota3A, %add3A_133 : vector<16xi32>
      %bitcast3A_135 = vector.bitcast %gather3A_131 : vector<16xf32> to vector<16xi32>
      %and3A_136 = arith.constant -128 : i32
      %and3A_137 = vector.broadcast %and3A_136 : i32 to vector<16xi32>
      %and3A_138 = arith.andi %bitcast3A_135, %and3A_137 : vector<16xi32>
      %or3A_139 = arith.ori %and3A_138, %add3A_134 : vector<16xi32>
      %bitcast3A_140 = vector.bitcast %or3A_139 : vector<16xi32> to vector<16xf32>
      %sort3A_141 = arith.constant dense<true> : vector<16xi1>
      %sort3A_142, %sort3A_143, %sort3A_144 = tpu.sort %bitcast3A_140, %bitcast3A_140 masked %sort3A_141 : (vector<16xf32>, vector<16xf32>, vector<16xi1>) -> (vector<16xi1>, vector<16xf32>, vector<16xf32>)
      %rev3A = arith.constant 15 : i32
      %rev3A_145 = vector.broadcast %rev3A : i32 to vector<16xi32>
      %rev3A_146 = tpu.iota {dimensions = array<i32: 0>} : vector<16xi32>
      %rev3A_147 = arith.subi %rev3A_145, %rev3A_146 : vector<16xi32>
      %rev3A_148 = tpu.dynamic_gather %sort3A_41[%rev3A_147] in [0] : vector<16xf32>, vector<16xi32> -> vector<16xf32>
      %min3A = arith.minimumf %sort3A_24, %rev3A_148 : vector<16xf32>
      %sort3A_149 = arith.constant dense<true> : vector<16xi1>
      %sort3A_150, %sort3A_151, %sort3A_152 = tpu.sort %min3A, %min3A masked %sort3A_149 : (vector<16xf32>, vector<16xf32>, vector<16xi1>) -> (vector<16xi1>, vector<16xf32>, vector<16xf32>)
      %rev3A_153 = arith.constant 15 : i32
      %rev3A_154 = vector.broadcast %rev3A_153 : i32 to vector<16xi32>
      %rev3A_155 = tpu.iota {dimensions = array<i32: 0>} : vector<16xi32>
      %rev3A_156 = arith.subi %rev3A_154, %rev3A_155 : vector<16xi32>
      %rev3A_157 = tpu.dynamic_gather %sort3A_75[%rev3A_156] in [0] : vector<16xf32>, vector<16xi32> -> vector<16xf32>
      %min3A_158 = arith.minimumf %sort3A_58, %rev3A_157 : vector<16xf32>
      %sort3A_159 = arith.constant dense<true> : vector<16xi1>
      %sort3A_160, %sort3A_161, %sort3A_162 = tpu.sort %min3A_158, %min3A_158 masked %sort3A_159 : (vector<16xf32>, vector<16xf32>, vector<16xi1>) -> (vector<16xi1>, vector<16xf32>, vector<16xf32>)
      %rev3A_163 = arith.constant 15 : i32
      %rev3A_164 = vector.broadcast %rev3A_163 : i32 to vector<16xi32>
      %rev3A_165 = tpu.iota {dimensions = array<i32: 0>} : vector<16xi32>
      %rev3A_166 = arith.subi %rev3A_164, %rev3A_165 : vector<16xi32>
      %rev3A_167 = tpu.dynamic_gather %sort3A_109[%rev3A_166] in [0] : vector<16xf32>, vector<16xi32> -> vector<16xf32>
      %min3A_168 = arith.minimumf %sort3A_92, %rev3A_167 : vector<16xf32>
      %sort3A_169 = arith.constant dense<true> : vector<16xi1>
      %sort3A_170, %sort3A_171, %sort3A_172 = tpu.sort %min3A_168, %min3A_168 masked %sort3A_169 : (vector<16xf32>, vector<16xf32>, vector<16xi1>) -> (vector<16xi1>, vector<16xf32>, vector<16xf32>)
      %rev3A_173 = arith.constant 15 : i32
      %rev3A_174 = vector.broadcast %rev3A_173 : i32 to vector<16xi32>
      %rev3A_175 = tpu.iota {dimensions = array<i32: 0>} : vector<16xi32>
      %rev3A_176 = arith.subi %rev3A_174, %rev3A_175 : vector<16xi32>
      %rev3A_177 = tpu.dynamic_gather %sort3A_143[%rev3A_176] in [0] : vector<16xf32>, vector<16xi32> -> vector<16xf32>
      %min3A_178 = arith.minimumf %sort3A_126, %rev3A_177 : vector<16xf32>
      %sort3A_179 = arith.constant dense<true> : vector<16xi1>
      %sort3A_180, %sort3A_181, %sort3A_182 = tpu.sort %min3A_178, %min3A_178 masked %sort3A_179 : (vector<16xf32>, vector<16xf32>, vector<16xi1>) -> (vector<16xi1>, vector<16xf32>, vector<16xf32>)
      %rev3A_183 = arith.constant 15 : i32
      %rev3A_184 = vector.broadcast %rev3A_183 : i32 to vector<16xi32>
      %rev3A_185 = tpu.iota {dimensions = array<i32: 0>} : vector<16xi32>
      %rev3A_186 = arith.subi %rev3A_184, %rev3A_185 : vector<16xi32>
      %rev3A_187 = tpu.dynamic_gather %sort3A_161[%rev3A_186] in [0] : vector<16xf32>, vector<16xi32> -> vector<16xf32>
      %min3A_188 = arith.minimumf %sort3A_151, %rev3A_187 : vector<16xf32>
      %sort3A_189 = arith.constant dense<true> : vector<16xi1>
      %sort3A_190, %sort3A_191, %sort3A_192 = tpu.sort %min3A_188, %min3A_188 masked %sort3A_189 : (vector<16xf32>, vector<16xf32>, vector<16xi1>) -> (vector<16xi1>, vector<16xf32>, vector<16xf32>)
      %rev3A_193 = arith.constant 15 : i32
      %rev3A_194 = vector.broadcast %rev3A_193 : i32 to vector<16xi32>
      %rev3A_195 = tpu.iota {dimensions = array<i32: 0>} : vector<16xi32>
      %rev3A_196 = arith.subi %rev3A_194, %rev3A_195 : vector<16xi32>
      %rev3A_197 = tpu.dynamic_gather %sort3A_181[%rev3A_196] in [0] : vector<16xf32>, vector<16xi32> -> vector<16xf32>
      %min3A_198 = arith.minimumf %sort3A_171, %rev3A_197 : vector<16xf32>
      %sort3A_199 = arith.constant dense<true> : vector<16xi1>
      %sort3A_200, %sort3A_201, %sort3A_202 = tpu.sort %min3A_198, %min3A_198 masked %sort3A_199 : (vector<16xf32>, vector<16xf32>, vector<16xi1>) -> (vector<16xi1>, vector<16xf32>, vector<16xf32>)
      %rev3A_203 = arith.constant 15 : i32
      %rev3A_204 = vector.broadcast %rev3A_203 : i32 to vector<16xi32>
      %rev3A_205 = tpu.iota {dimensions = array<i32: 0>} : vector<16xi32>
      %rev3A_206 = arith.subi %rev3A_204, %rev3A_205 : vector<16xi32>
      %rev3A_207 = tpu.dynamic_gather %sort3A_201[%rev3A_206] in [0] : vector<16xf32>, vector<16xi32> -> vector<16xf32>
      %min3A_208 = arith.minimumf %sort3A_191, %rev3A_207 : vector<16xf32>
      %sort3A_209 = arith.constant dense<true> : vector<16xi1>
      %sort3A_210, %sort3A_211, %sort3A_212 = tpu.sort %min3A_208, %min3A_208 masked %sort3A_209 : (vector<16xf32>, vector<16xf32>, vector<16xi1>) -> (vector<16xi1>, vector<16xf32>, vector<16xf32>)
      %bitcast3A_213 = vector.bitcast %sort3A_211 : vector<16xf32> to vector<16xi32>
      %and3A_214 = arith.constant 127 : i32
      %and3A_215 = vector.broadcast %and3A_214 : i32 to vector<16xi32>
      %and3A_216 = arith.andi %bitcast3A_213, %and3A_215 : vector<16xi32>
      %mul3A_217 = arith.constant 2 : i32
      %mul3A_218 = vector.broadcast %mul3A_217 : i32 to vector<16xi32>
      %mul3A_219 = arith.muli %and3A_216, %mul3A_218 : vector<16xi32>
      %add3A_220 = arith.constant 0 : i32
      %add3A_221 = vector.broadcast %add3A_220 : i32 to vector<16xi32>
      %add3A_222 = arith.addi %mul3A_219, %add3A_221 : vector<16xi32>
      %gather3A_223 = tpu.vector_load_idx %arg5[%add3A_222, %add3A_13] : memref<256x128xf32, #tpu.memory_space<vmem>>[vector<16xi32>, vector<16xi32>], vector<16xf32>,
      %sort3A_224 = arith.constant dense<true> : vector<16xi1>
      %sort3A_225, %sort3A_226, %sort3A_227 = tpu.sort %gather3A_223, %gather3A_223 masked %sort3A_224 : (vector<16xf32>, vector<16xf32>, vector<16xi1>) -> (vector<16xi1>, vector<16xf32>, vector<16xf32>)
      %add3A_228 = arith.constant 1 : i32
      %add3A_229 = vector.broadcast %add3A_228 : i32 to vector<16xi32>
      %add3A_230 = arith.addi %mul3A_219, %add3A_229 : vector<16xi32>
      %gather3A_231 = tpu.vector_load_idx %arg5[%add3A_230, %add3A_13] : memref<256x128xf32, #tpu.memory_space<vmem>>[vector<16xi32>, vector<16xi32>], vector<16xf32>,
      %sort3A_232 = arith.constant dense<true> : vector<16xi1>
      %sort3A_233, %sort3A_234, %sort3A_235 = tpu.sort %gather3A_231, %gather3A_231 masked %sort3A_232 : (vector<16xf32>, vector<16xf32>, vector<16xi1>) -> (vector<16xi1>, vector<16xf32>, vector<16xf32>)
      %rev3A_236 = arith.constant 15 : i32
      %rev3A_237 = vector.broadcast %rev3A_236 : i32 to vector<16xi32>
      %rev3A_238 = tpu.iota {dimensions = array<i32: 0>} : vector<16xi32>
      %rev3A_239 = arith.subi %rev3A_237, %rev3A_238 : vector<16xi32>
      %rev3A_240 = tpu.dynamic_gather %sort3A_234[%rev3A_239] in [0] : vector<16xf32>, vector<16xi32> -> vector<16xf32>
      %min3A_241 = arith.minimumf %sort3A_226, %rev3A_240 : vector<16xf32>
      %sort3A_242 = arith.constant dense<true> : vector<16xi1>
      %sort3A_243, %sort3A_244, %sort3A_245 = tpu.sort %min3A_241, %min3A_241 masked %sort3A_242 : (vector<16xf32>, vector<16xf32>, vector<16xi1>) -> (vector<16xi1>, vector<16xf32>, vector<16xf32>)
      %swap3A = arith.index_cast %scan3A_8 : i32 to index
      %swap3A_246 = arith.constant 0 : index
      %swap3A_247 = tpu.vector_load %arg7[%swap3A, %swap3A_246] {strides = array<i32>} : memref<128x16xf32, #tpu.memory_space<vmem>>, vector<16xf32>,
      tpu.vector_store %arg7[%swap3A, %swap3A_246], %sort3A_244 {strides = array<i32>} : memref<128x16xf32, #tpu.memory_space<vmem>>, vector<16xf32>,
    }
    %scan3A_7 = arith.constant 128 : i32
    "tpu.region"() ({
      %run_scoped3A = tpu.sem_alloc : memref<!tpu.dma_semaphore, #tpu.memory_space<semaphore_mem>>
      %dma_start3A = arith.constant 0 : i32
      %dma_start3A_8 = tpu.memref_slice %arg4[%mul3A_2, %dma_start3A] : memref<4096x16xf32, #tpu.memory_space<hbm>> -> memref<128x16xf32, #tpu.memory_space<hbm>>
      %dma_start3A_9 = arith.constant 0 : i32
      %dma_start3A_10 = tpu.memref_slice %arg4[%mul3A_2, %dma_start3A_9] : memref<4096x16xf32, #tpu.memory_space<hbm>> -> memref<128x16xf32, #tpu.memory_space<hbm>>
      tpu.enqueue_dma source(%arg7 : memref<128x16xf32, #tpu.memory_space<vmem>>) target(%dma_start3A_10 : memref<128x16xf32, #tpu.memory_space<hbm>>) target_semaphore(%run_scoped3A : memref<!tpu.dma_semaphore, #tpu.memory_space<semaphore_mem>>)
      %dma_wait3A = arith.constant 0 : i32
      %dma_wait3A_11 = tpu.memref_slice %arg4[%mul3A_2, %dma_wait3A] : memref<4096x16xf32, #tpu.memory_space<hbm>> -> memref<128x16xf32, #tpu.memory_space<hbm>>
      %dma_wait3A_12 = arith.constant 0 : i32
      %dma_wait3A_13 = tpu.memref_slice %arg4[%mul3A_2, %dma_wait3A_12] : memref<4096x16xf32, #tpu.memory_space<hbm>> -> memref<128x16xf32, #tpu.memory_space<hbm>>
      tpu.wait_dma2 semaphore(%run_scoped3A : memref<!tpu.dma_semaphore, #tpu.memory_space<semaphore_mem>>) src(%arg7 : memref<128x16xf32, #tpu.memory_space<vmem>>) dst(%dma_wait3A_13 : memref<128x16xf32, #tpu.memory_space<hbm>>)
      tpu.yield
    }) : () -> ()
    return
  }
}

module attributes {stable_mosaic.version = 14 : i64} {
  func.func @_comb_body(%arg0: i32, %arg1: memref<1024x256xf32, #tpu.memory_space<vmem>>, %arg2: memref<256x4096xf32, #tpu.memory_space<vmem>>, %arg3: memref<1024x16xf32, #tpu.memory_space<vmem>>, %arg4: memref<4096x1xi32, #tpu.memory_space<vmem>>, %arg5: memref<1x1xf32, #tpu.memory_space<vmem>>) attributes {dimension_semantics = [#tpu.dimension_semantics<arbitrary>], iteration_bounds = array<i64: 4>, scalar_prefetch = 0 : i64, scratch_operands = 0 : i64, tpu.core_type = #tpu.core_type<tc>, window_params = [{transform_indices = @transform_0, window_bounds = array<i64: 1024, 256>}, {pipeline_mode = #tpu.pipeline_mode<synchronous>, transform_indices = @transform_1, window_bounds = array<i64: 256, 4096>}, {transform_indices = @transform_2, window_bounds = array<i64: 1024, 16>}, {pipeline_mode = #tpu.pipeline_mode<synchronous>, transform_indices = @transform_3, window_bounds = array<i64: 4096, 1>}, {pipeline_mode = #tpu.pipeline_mode<synchronous>, transform_indices = @transform_4, window_bounds = array<i64: 1, 1>}]} {
    %get3A = arith.constant 0 : index
    %get3A_0 = arith.constant 0 : index
    %get3A_1 = vector.load %arg1[%get3A, %get3A_0] : memref<1024x256xf32, #tpu.memory_space<vmem>>, vector<1024x256xf32>
    %get3A_2 = arith.constant 0 : index
    %get3A_3 = arith.constant 0 : index
    %get3A_4 = vector.load %arg2[%get3A_2, %get3A_3] : memref<256x4096xf32, #tpu.memory_space<vmem>>, vector<256x4096xf32>
    %dot_general3A = arith.constant dense<0.000000e+00> : vector<1024x4096xf32>
    %dot_general3A_5 = tpu.matmul %get3A_1, %get3A_4, %dot_general3A {dimension_numbers = #tpu.dot_dimension_numbers<[1], [0], [0], [1], [0, 0, 1, 1], [], []>, transpose_lhs_hint = false} : vector<1024x256xf32>, vector<256x4096xf32>, vector<1024x4096xf32> -> vector<1024x4096xf32>
    %mul3A = arith.mulf %get3A_1, %get3A_1 : vector<1024x256xf32>
    %reduce_sum3A = arith.constant dense<0.000000e+00> : vector<1024xf32>
    %reduce_sum3A_6 = vector.multi_reduction <add>, %mul3A, %reduce_sum3A [1] : vector<1024x256xf32> to vector<1024xf32>
    %broadcast_in_dim3A = vector.shape_cast %reduce_sum3A_6 : vector<1024xf32> to vector<1024x1xf32>
    %mul3A_7 = arith.mulf %get3A_4, %get3A_4 : vector<256x4096xf32>
    %reduce_sum3A_8 = arith.constant dense<0.000000e+00> : vector<4096xf32>
    %reduce_sum3A_9 = vector.multi_reduction <add>, %mul3A_7, %reduce_sum3A_8 [0] : vector<256x4096xf32> to vector<4096xf32>
    %broadcast_in_dim3A_10 = vector.shape_cast %reduce_sum3A_9 : vector<4096xf32> to vector<1x4096xf32>
    %add3A = vector.broadcast %broadcast_in_dim3A : vector<1024x1xf32> to vector<1024x4096xf32>
    %add3A_11 = vector.broadcast %broadcast_in_dim3A_10 : vector<1x4096xf32> to vector<1024x4096xf32>
    %add3A_12 = arith.addf %add3A, %add3A_11 : vector<1024x4096xf32>
    %mul3A_13 = arith.constant 2.000000e+00 : f32
    %mul3A_14 = vector.broadcast %mul3A_13 : f32 to vector<1024x4096xf32>
    %mul3A_15 = arith.mulf %mul3A_14, %dot_general3A_5 : vector<1024x4096xf32>
    %sub3A = arith.subf %add3A_12, %mul3A_15 : vector<1024x4096xf32>
    %iota3A = tpu.iota {dimensions = array<i32: 1>} : vector<1024x4096xi32>
    %iota3A_16 = tpu.iota {dimensions = array<i32: 0>} : vector<1024x4096xi32>
    %mul3A_17 = arith.constant 1024 : i32
    %mul3A_18 = arith.muli %arg0, %mul3A_17 : i32
    %add3A_19 = vector.broadcast %mul3A_18 : i32 to vector<1024x4096xi32>
    %add3A_20 = arith.addi %iota3A_16, %add3A_19 : vector<1024x4096xi32>
    %eq3A = arith.cmpi eq, %iota3A, %add3A_20 : vector<1024x4096xi32>
    %add3A_21 = arith.constant 1.000000e+10 : f32
    %add3A_22 = vector.broadcast %add3A_21 : f32 to vector<1024x4096xf32>
    %add3A_23 = arith.addf %sub3A, %add3A_22 : vector<1024x4096xf32>
    %select_n3A = arith.select %eq3A, %add3A_23, %sub3A : vector<1024x4096xi1>, vector<1024x4096xf32>
    %get3A_24 = arith.constant 0 : index
    %get3A_25 = arith.constant 0 : index
    %get3A_26 = vector.load %arg3[%get3A_24, %get3A_25] : memref<1024x16xf32, #tpu.memory_space<vmem>>, vector<1024x16xf32>
    %slice3A = vector.extract_strided_slice %get3A_26 {offsets = [0, 0], sizes = [1024, 1], strides = [1, 1]} : vector<1024x16xf32> to vector<1024x1xf32>
    %slice3A_27 = vector.extract_strided_slice %get3A_26 {offsets = [0, 14], sizes = [1024, 1], strides = [1, 1]} : vector<1024x16xf32> to vector<1024x1xf32>
    %sub3A_28 = vector.broadcast %slice3A : vector<1024x1xf32> to vector<1024x4096xf32>
    %sub3A_29 = arith.subf %sub3A_28, %select_n3A : vector<1024x4096xf32>
    %exp3A = math.exp %sub3A_29 : vector<1024x4096xf32>
    %le3A = vector.broadcast %slice3A_27 : vector<1024x1xf32> to vector<1024x4096xf32>
    %le3A_30 = arith.cmpf ole, %select_n3A, %le3A : vector<1024x4096xf32>
    %jit3A = arith.constant 0.000000e+00 : f32
    %broadcast_in_dim3A_31 = vector.broadcast %jit3A : f32 to vector<1024x4096xf32>
    %select_n3A_32 = arith.select %le3A_30, %exp3A, %broadcast_in_dim3A_31 : vector<1024x4096xi1>, vector<1024x4096xf32>
    %get3A_33 = arith.constant 0 : index
    %get3A_34 = arith.constant 0 : index
    %get3A_35 = vector.load %arg4[%get3A_33, %get3A_34] : memref<4096x1xi32, #tpu.memory_space<vmem>>, vector<4096x1xi32>
    %iota3A_36 = tpu.iota {dimensions = array<i32: 1>} : vector<4096x8xi32>
    %eq3A_37 = vector.broadcast %get3A_35 : vector<4096x1xi32> to vector<4096x8xi32>
    %eq3A_38 = arith.cmpi eq, %eq3A_37, %iota3A_36 : vector<4096x8xi32>
    %convert_element_type3A = arith.extui %eq3A_38 : vector<4096x8xi1> to vector<4096x8xi32>
    %convert_element_type3A_39 = arith.sitofp %convert_element_type3A : vector<4096x8xi32> to vector<4096x8xf32>
    %dot_general3A_40 = arith.constant dense<0.000000e+00> : vector<1024x8xf32>
    %dot_general3A_41 = tpu.matmul %select_n3A_32, %convert_element_type3A_39, %dot_general3A_40 {dimension_numbers = #tpu.dot_dimension_numbers<[1], [0], [0], [1], [0, 0, 1, 1], [], []>, transpose_lhs_hint = false} : vector<1024x4096xf32>, vector<4096x8xf32>, vector<1024x8xf32> -> vector<1024x8xf32>
    %reduce_sum3A_42 = arith.constant dense<0.000000e+00> : vector<1024xf32>
    %reduce_sum3A_43 = vector.multi_reduction <add>, %dot_general3A_41, %reduce_sum3A_42 [1] : vector<1024x8xf32> to vector<1024xf32>
    %broadcast_in_dim3A_44 = vector.shape_cast %reduce_sum3A_43 : vector<1024xf32> to vector<1024x1xf32>
    %div3A = vector.broadcast %broadcast_in_dim3A_44 : vector<1024x1xf32> to vector<1024x8xf32>
    %div3A_45 = arith.divf %dot_general3A_41, %div3A : vector<1024x8xf32>
    %add3A_46 = arith.constant 9.99999993E-9 : f32
    %add3A_47 = vector.broadcast %add3A_46 : f32 to vector<1024x8xf32>
    %add3A_48 = arith.addf %div3A_45, %add3A_47 : vector<1024x8xf32>
    %log3A = math.log %add3A_48 : vector<1024x8xf32>
    %mul3A_49 = arith.mulf %div3A_45, %log3A : vector<1024x8xf32>
    %reduce_sum3A_50 = arith.constant dense<0.000000e+00> : vector<1024xf32>
    %reduce_sum3A_51 = vector.multi_reduction <add>, %mul3A_49, %reduce_sum3A_50 [1] : vector<1024x8xf32> to vector<1024xf32>
    %neg3A = arith.constant 0.000000e+00 : f32
    %neg3A_52 = vector.broadcast %neg3A : f32 to vector<1024xf32>
    %neg3A_53 = arith.subf %neg3A_52, %reduce_sum3A_51 : vector<1024xf32>
    %log3A_54 = arith.constant 8.000000e+00 : f32
    %log3A_55 = math.log %log3A_54 : f32
    %add3A_56 = arith.constant 9.99999993E-9 : f32
    %add3A_57 = arith.addf %log3A_55, %add3A_56 : f32
    %div3A_58 = vector.broadcast %add3A_57 : f32 to vector<1024xf32>
    %div3A_59 = arith.divf %neg3A_53, %div3A_58 : vector<1024xf32>
    %eq3A_60 = arith.constant 0 : i32
    %eq3A_61 = arith.cmpi eq, %arg0, %eq3A_60 : i32
    %convert_element_type3A_62 = arith.extui %eq3A_61 : i1 to i32
    %cond3A = arith.constant 0 : i32
    %cond3A_63 = arith.cmpi ne, %convert_element_type3A_62, %cond3A : i32
    scf.if %cond3A_63 {
      %broadcast_in_dim3A_75 = arith.constant 0.000000e+00 : f32
      %broadcast_in_dim3A_76 = vector.broadcast %broadcast_in_dim3A_75 : f32 to vector<1x1xf32>
      %swap3A_77 = arith.constant 0 : index
      %swap3A_78 = arith.constant 0 : index
      %swap3A_79 = vector.load %arg5[%swap3A_77, %swap3A_78] : memref<1x1xf32, #tpu.memory_space<vmem>>, vector<1x1xf32>
      tpu.vector_store %arg5[%swap3A_77, %swap3A_78], %broadcast_in_dim3A_76 {strides = array<i32>} : memref<1x1xf32, #tpu.memory_space<vmem>>, vector<1x1xf32>,
    } else {
    }
    %get3A_64 = arith.constant 0 : index
    %get3A_65 = arith.constant 0 : index
    %get3A_66 = vector.load %arg5[%get3A_64, %get3A_65] : memref<1x1xf32, #tpu.memory_space<vmem>>, vector<1x1xf32>
    %reduce_sum3A_67 = vector.shape_cast %div3A_59 : vector<1024xf32> to vector<1x1024xf32>
    %reduce_sum3A_68 = arith.constant dense<0.000000e+00> : vector<1xf32>
    %reduce_sum3A_69 = vector.multi_reduction <add>, %reduce_sum3A_67, %reduce_sum3A_68 [1] : vector<1x1024xf32> to vector<1xf32>
    %reduce_sum3A_70 = vector.shape_cast %reduce_sum3A_69 : vector<1xf32> to vector<1x1xf32>
    %reduce_sum3A_71 = vector.extract %reduce_sum3A_70[0, 0] : f32 from vector<1x1xf32>
    %reshape3A = vector.broadcast %reduce_sum3A_71 : f32 to vector<1x1xf32>
    %add3A_72 = arith.addf %get3A_66, %reshape3A : vector<1x1xf32>
    %swap3A = arith.constant 0 : index
    %swap3A_73 = arith.constant 0 : index
    %swap3A_74 = vector.load %arg5[%swap3A, %swap3A_73] : memref<1x1xf32, #tpu.memory_space<vmem>>, vector<1x1xf32>
    tpu.vector_store %arg5[%swap3A, %swap3A_73], %add3A_72 {strides = array<i32>} : memref<1x1xf32, #tpu.memory_space<vmem>>, vector<1x1xf32>,
    return
  }
  func.func @transform_0(%arg0: i32) -> (i32, i32) {
    %c0_i32 = arith.constant 0 : i32
    %c0_i32_0 = arith.constant 0 : i32
    return %arg0, %c0_i32 : i32, i32
  }
  func.func @transform_1(%arg0: i32) -> (i32, i32) {
    %c0_i32 = arith.constant 0 : i32
    %c0_i32_0 = arith.constant 0 : i32
    %c0_i32_1 = arith.constant 0 : i32
    return %c0_i32, %c0_i32_0 : i32, i32
  }
  func.func @transform_2(%arg0: i32) -> (i32, i32) {
    %c0_i32 = arith.constant 0 : i32
    %c0_i32_0 = arith.constant 0 : i32
    return %arg0, %c0_i32 : i32, i32
  }
  func.func @transform_3(%arg0: i32) -> (i32, i32) {
    %c0_i32 = arith.constant 0 : i32
    %c0_i32_0 = arith.constant 0 : i32
    %c0_i32_1 = arith.constant 0 : i32
    return %c0_i32, %c0_i32_0 : i32, i32
  }
  func.func @transform_4(%arg0: i32) -> (i32, i32) {
    %c0_i32 = arith.constant 0 : i32
    %c0_i32_0 = arith.constant 0 : i32
    %c0_i32_1 = arith.constant 0 : i32
    return %c0_i32, %c0_i32_0 : i32, i32
  }
}

module attributes {stable_mosaic.version = 14 : i64} {
  func.func @_dist_body(%arg0: i32, %arg1: memref<512x256xf32, #tpu.memory_space<vmem>>, %arg2: memref<256x4096xf32, #tpu.memory_space<vmem>>, %arg3: memref<32x4096xf32, #tpu.memory_space<vmem>>, %arg4: memref<16x4096xf32, #tpu.memory_space<vmem>>) attributes {dimension_semantics = [#tpu.dimension_semantics<arbitrary>], iteration_bounds = array<i64: 8>, scalar_prefetch = 0 : i64, scratch_operands = 0 : i64, tpu.core_type = #tpu.core_type<tc>, window_params = [{transform_indices = @transform_0, window_bounds = array<i64: 512, 256>}, {pipeline_mode = #tpu.pipeline_mode<synchronous>, transform_indices = @transform_1, window_bounds = array<i64: 256, 4096>}, {transform_indices = @transform_2, window_bounds = array<i64: 32, 4096>}, {transform_indices = @transform_3, window_bounds = array<i64: 16, 4096>}]} {
    %get3A = arith.constant 0 : index
    %get3A_0 = arith.constant 0 : index
    %get3A_1 = vector.load %arg1[%get3A, %get3A_0] : memref<512x256xf32, #tpu.memory_space<vmem>>, vector<512x256xf32>
    %get3A_2 = arith.constant 0 : index
    %get3A_3 = arith.constant 0 : index
    %get3A_4 = vector.load %arg2[%get3A_2, %get3A_3] : memref<256x4096xf32, #tpu.memory_space<vmem>>, vector<256x4096xf32>
    %dot_general3A = arith.constant dense<0.000000e+00> : vector<512x4096xf32>
    %dot_general3A_5 = tpu.matmul %get3A_1, %get3A_4, %dot_general3A {dimension_numbers = #tpu.dot_dimension_numbers<[1], [0], [0], [1], [0, 0, 1, 1], [], []>, transpose_lhs_hint = false} : vector<512x256xf32>, vector<256x4096xf32>, vector<512x4096xf32> -> vector<512x4096xf32>
    %mul3A = arith.mulf %get3A_1, %get3A_1 : vector<512x256xf32>
    %reduce_sum3A = arith.constant dense<0.000000e+00> : vector<512xf32>
    %reduce_sum3A_6 = vector.multi_reduction <add>, %mul3A, %reduce_sum3A [1] : vector<512x256xf32> to vector<512xf32>
    %broadcast_in_dim3A = vector.shape_cast %reduce_sum3A_6 : vector<512xf32> to vector<512x1xf32>
    %mul3A_7 = arith.mulf %get3A_4, %get3A_4 : vector<256x4096xf32>
    %reduce_sum3A_8 = arith.constant dense<0.000000e+00> : vector<4096xf32>
    %reduce_sum3A_9 = vector.multi_reduction <add>, %mul3A_7, %reduce_sum3A_8 [0] : vector<256x4096xf32> to vector<4096xf32>
    %broadcast_in_dim3A_10 = vector.shape_cast %reduce_sum3A_9 : vector<4096xf32> to vector<1x4096xf32>
    %add3A = vector.broadcast %broadcast_in_dim3A : vector<512x1xf32> to vector<512x4096xf32>
    %add3A_11 = vector.broadcast %broadcast_in_dim3A_10 : vector<1x4096xf32> to vector<512x4096xf32>
    %add3A_12 = arith.addf %add3A, %add3A_11 : vector<512x4096xf32>
    %mul3A_13 = arith.constant 2.000000e+00 : f32
    %mul3A_14 = vector.broadcast %mul3A_13 : f32 to vector<512x4096xf32>
    %mul3A_15 = arith.mulf %mul3A_14, %dot_general3A_5 : vector<512x4096xf32>
    %sub3A = arith.subf %add3A_12, %mul3A_15 : vector<512x4096xf32>
    %iota3A = tpu.iota {dimensions = array<i32: 1>} : vector<512x4096xi32>
    %iota3A_16 = tpu.iota {dimensions = array<i32: 0>} : vector<512x4096xi32>
    %mul3A_17 = arith.constant 512 : i32
    %mul3A_18 = arith.muli %arg0, %mul3A_17 : i32
    %add3A_19 = vector.broadcast %mul3A_18 : i32 to vector<512x4096xi32>
    %add3A_20 = arith.addi %iota3A_16, %add3A_19 : vector<512x4096xi32>
    %eq3A = arith.cmpi eq, %iota3A, %add3A_20 : vector<512x4096xi32>
    %add3A_21 = arith.constant 1.000000e+10 : f32
    %add3A_22 = vector.broadcast %add3A_21 : f32 to vector<512x4096xf32>
    %add3A_23 = arith.addf %sub3A, %add3A_22 : vector<512x4096xf32>
    %select_n3A = arith.select %eq3A, %add3A_23, %sub3A : vector<512x4096xi1>, vector<512x4096xf32>
    %reshape3A = vector.shape_cast %select_n3A : vector<512x4096xf32> to vector<32x16x4096xf32>
    %reduce_min3A = arith.constant dense<0x7F800000> : vector<32x4096xf32>
    %reduce_min3A_24 = vector.multi_reduction <minimumf>, %reshape3A, %reduce_min3A [1] : vector<32x16x4096xf32> to vector<32x4096xf32>
    %swap3A = arith.constant 0 : index
    %swap3A_25 = arith.constant 0 : index
    %swap3A_26 = vector.load %arg3[%swap3A, %swap3A_25] : memref<32x4096xf32, #tpu.memory_space<vmem>>, vector<32x4096xf32>
    tpu.vector_store %arg3[%swap3A, %swap3A_25], %reduce_min3A_24 {strides = array<i32>} : memref<32x4096xf32, #tpu.memory_space<vmem>>, vector<32x4096xf32>,
    %reshape3A_27 = vector.shape_cast %reduce_min3A_24 : vector<32x4096xf32> to vector<16x2x4096xf32>
    %reduce_min3A_28 = arith.constant dense<0x7F800000> : vector<16x4096xf32>
    %reduce_min3A_29 = vector.multi_reduction <minimumf>, %reshape3A_27, %reduce_min3A_28 [1] : vector<16x2x4096xf32> to vector<16x4096xf32>
    %swap3A_30 = arith.constant 0 : index
    %swap3A_31 = arith.constant 0 : index
    %swap3A_32 = vector.load %arg4[%swap3A_30, %swap3A_31] : memref<16x4096xf32, #tpu.memory_space<vmem>>, vector<16x4096xf32>
    tpu.vector_store %arg4[%swap3A_30, %swap3A_31], %reduce_min3A_29 {strides = array<i32>} : memref<16x4096xf32, #tpu.memory_space<vmem>>, vector<16x4096xf32>,
    return
  }
  func.func @transform_0(%arg0: i32) -> (i32, i32) {
    %c0_i32 = arith.constant 0 : i32
    %c0_i32_0 = arith.constant 0 : i32
    return %arg0, %c0_i32 : i32, i32
  }
  func.func @transform_1(%arg0: i32) -> (i32, i32) {
    %c0_i32 = arith.constant 0 : i32
    %c0_i32_0 = arith.constant 0 : i32
    %c0_i32_1 = arith.constant 0 : i32
    return %c0_i32, %c0_i32_0 : i32, i32
  }
  func.func @transform_2(%arg0: i32) -> (i32, i32) {
    %c0_i32 = arith.constant 0 : i32
    %c0_i32_0 = arith.constant 0 : i32
    return %arg0, %c0_i32 : i32, i32
  }
  func.func @transform_3(%arg0: i32) -> (i32, i32) {
    %c0_i32 = arith.constant 0 : i32
    %c0_i32_0 = arith.constant 0 : i32
    return %arg0, %c0_i32 : i32, i32
  }
}

</mosaic_0001>

<sc_bundles>
// kernel: kernel.5.cloned.1.call-start
scs
__scs_entry_jumppad:
0x0: {  	(pc) =	sbr.rel $0x88, $3  }
0x1: {  	(tag) =	ssettag $0x0;
	lr =	simm.s32 $0x1  }
0x2: {  	[smem:$0x3F9F] =	sst lr;
	_ =	strace $0xD0000000  }
0x3: {  	_ = 	snop  }
0x4: {  	_ = 	snop  }
0x5: {  	_ = 	snop  }
0x6: {  	_ = 	snop  }
0x7: {  	_ = 	snop  }
__scs_overlays_trampoline_lowered:
0x8: {  	[smem:$0x3FAE] =	sst s0  }
0x9: {  	[smem:$0x3FAF] =	sst s1  }
0xa: {  	[smem:$0x3FB0] =	sst s2  }
0xb: {  	[smem:$0x3FB1] =	sst s3  }
0xc: {  	[smem:$0x3FB2] =	sst s4  }
0xd: {  	[smem:$0x3FB3] =	sst s5  }
0xe: {  	[smem:$0x3FB4] =	sst s6  }
0xf: {  	[smem:$0x3FB5] =	sst s7  }
0x10: {  	[smem:$0x3FB6] =	sst s8  }
0x11: {  	[smem:$0x3FB7] =	sst s9;
	s0 =	simm.s32 @!p0 $0x0  }
0x12: {  	s1 =	sld [smem:$0x3F9D];
	s0 =	simm.s32 @p0 $0x1  }
0x13: {  	[smem:$0x3FB8] =	sst s0;
	s0 =	simm.s32 @!p1 $0x0  }
0x14: {  	s2 =	sld [smem:$0x3F9C];
	s0 =	simm.s32 @p1 $0x1  }
0x15: {  	[smem:$0x3FB9] =	sst s0;
	s0 =	simm.s32 @!p2 $0x0  }
0x16: {  	s3 =	sld [smem:$0x3FDB];
	s0 =	simm.s32 @p2 $0x1  }
0x17: {  	s4 =	simm.s32 $0x1BF5;
	[smem:$0x3FBB] =	sst s0  }
0x18: {  	s0 =	sld [smem:$0x3F9E];
	_ =	swait.ge [sflag:s4], $0x0  }
0x19: {  	s7 =	sld [smem:$0x3F9F]  }
0x1a: {  	s8 =	sadd.s32 $0xFFFFE003, lr  }
0x1b: {  	s9 =	sadd.s32 $0xFFFFFEF7, lr;
	s5 =	simm.s32 $0xFFFFFFFF;
	p2 =	slt.u32 s8, $0xFFFFF086  }
0x1c: {  	p1 =	slt.u32 s9, $0xF7A;
	s5 =	simm.s32 @!p2 $0x0  }
0x1d: {  	s5 =	simm.s32 @p1 $0x1;
	p0 =	seq.s32 s7, s2  }
0x1e: {  	s7 =	smul.u32 @!p0 $0xF7A, s2;
	p2 =	seq.s32 @!p0 s5, $0x0  }
0x1f: {  	s9 =	smul.u32 $0xF7A, s1;
	s8 =	simm.s32 @!p0 $0x1BF5;
	p2 =	por !p2, p0  }
0x20: {  	[sflag:s8] =	ssyncset.s32 @!p0 $0xFFFFF086;
	s6 =	sadd.s32 @!p0 s3, s7;
	s7 =	simm.s32 @!p0 $0x108  }
0x21: {  	s3 =	sadd.s32 s3, s9;
	s6 =	sadd.s32 @!p0 $0x88, s6;
	s7 =	simm.s32 @p2 $0x1082  }
0x22: {  	[simem:s7], [sflag:s8] =	dma.local @!p0 [hbm:s6], $0xF7A  }
0x23: {  	s9 =	sor.u32 $0xD0000000, s2;
	s6 =	simm.s32 $0x108;
	_ =	swait.ge @!p0 [sflag:s8], $0x0  }
0x24: {  	s3 =	sadd.s32 $0x88, s3;
	s6 =	simm.s32 @!p1 $0x1082;
	[sflag:s4] =	ssyncset.s32 $0xFFFFF086  }
0x25: {  	[simem:s6], [sflag:s4] =	dma.local [hbm:s3], $0xF7A  }
0x26: {  	[smem:$0x3F9F] =	sst s1;
	(tag) =	ssettag s2;
	_ =	strace s9  }
0x27: {  	s1 =	sld [smem:$0x3FAF]  }
0x28: {  	s2 =	sld [smem:$0x3FB0]  }
0x29: {  	s4 =	sld [smem:$0x3FB2]  }
0x2a: {  	p0 =	seq.s32 s5, $0x0;
	s5 =	sld [smem:$0x3FB3]  }
0x2b: {  	s6 =	sld [smem:$0x3FB4]  }
0x2c: {  	s7 =	sld [smem:$0x3FB5]  }
0x2d: {  	s3 =	simm.s32 $0x108;
	s8 =	sld [smem:$0x3FB6]  }
0x2e: {  	s3 =	simm.s32 @!p0 $0x1082;
	s9 =	sld [smem:$0x3FB7]  }
0x2f: {  	lr =	sadd.s32 s0, s3;
	s0 =	sld [smem:$0x3FAE]  }
0x30: {  	s3 =	sld [smem:$0x3FB1]  }
0x31: {  	[smem:$0x3FBA] =	sst s10  }
0x32: {  	s10 =	sld [smem:$0x3FB8];
	_ =	sdelay $0x3  }
0x33: {  	p0 =	seq.s32 s10, $0x1;
	s10 =	sld [smem:$0x3FBA];
	_ =	sdelay $0x3  }
0x34: {  	[smem:$0x3FBA] =	sst s10  }
0x35: {  	s10 =	sld [smem:$0x3FB9];
	_ =	sdelay $0x3  }
0x36: {  	p1 =	seq.s32 s10, $0x1;
	s10 =	sld [smem:$0x3FBA];
	_ =	sdelay $0x3  }
0x37: {  	[smem:$0x3FBA] =	sst s10  }
0x38: {  	s10 =	sld [smem:$0x3FBB]  }
0x39: {  	_ = 	snop;
	(pc) =	sbr.ind lr, $3  }
0x3a: {  	_ = 	snop  }
0x3b: {  	_ = 	snop  }
0x3c: {  	p2 =	seq.s32 s10, $0x1;
	s10 =	sld [smem:$0x3FBA]  }
0x3d: {  	_ =	shalt  }
0x3e: {  	_ =	shalt  }
0x3f: {  	_ =	shalt  }
0x40: {  	_ =	shalt  }
0x41: {  	_ =	shalt  }
0x42: {  	_ =	shalt  }
0x43: {  	_ =	shalt  }
0x44: {  	_ =	shalt  }
0x45: {  	_ =	shalt  }
0x46: {  	_ =	shalt  }
0x47: {  	_ =	shalt  }
0x48: {  	_ =	shalt  }
0x49: {  	_ =	shalt  }
0x4a: {  	_ =	shalt  }
0x4b: {  	_ =	shalt  }
0x4c: {  	_ =	shalt  }
0x4d: {  	_ =	shalt  }
0x4e: {  	_ =	shalt  }
0x4f: {  	_ =	shalt  }
0x50: {  	_ =	shalt  }
0x51: {  	_ =	shalt  }
0x52: {  	_ =	shalt  }
0x53: {  	_ =	shalt  }
0x54: {  	_ =	shalt  }
0x55: {  	_ =	shalt  }
0x56: {  	_ =	shalt  }
0x57: {  	_ =	shalt  }
0x58: {  	_ =	shalt  }
0x59: {  	_ =	shalt  }
0x5a: {  	_ =	shalt  }
0x5b: {  	_ =	shalt  }
0x5c: {  	_ =	shalt  }
0x5d: {  	_ =	shalt  }
0x5e: {  	_ =	shalt  }
0x5f: {  	_ =	shalt  }
0x60: {  	_ =	shalt  }
0x61: {  	_ =	shalt  }
0x62: {  	_ =	shalt  }
0x63: {  	_ =	shalt  }
0x64: {  	_ =	shalt  }
0x65: {  	_ =	shalt  }
0x66: {  	_ =	shalt  }
0x67: {  	_ =	shalt  }
0x68: {  	_ =	shalt  }
0x69: {  	_ =	shalt  }
0x6a: {  	_ =	shalt  }
0x6b: {  	_ =	shalt  }
0x6c: {  	_ =	shalt  }
0x6d: {  	_ =	shalt  }
0x6e: {  	_ =	shalt  }
0x6f: {  	_ =	shalt  }
0x70: {  	_ =	shalt  }
0x71: {  	_ =	shalt  }
0x72: {  	_ =	shalt  }
0x73: {  	_ =	shalt  }
0x74: {  	_ =	shalt  }
0x75: {  	_ =	shalt  }
0x76: {  	_ =	shalt  }
0x77: {  	_ =	shalt  }
0x78: {  	_ =	shalt  }
0x79: {  	_ =	shalt  }
0x7a: {  	_ =	shalt  }
0x7b: {  	_ =	shalt  }
0x7c: {  	_ =	shalt  }
0x7d: {  	_ =	shalt  }
0x7e: {  	_ =	shalt  }
0x7f: {  	_ =	shalt  }
0x80: {  	_ =	shalt  }
0x81: {  	_ =	shalt  }
0x82: {  	_ =	shalt  }
0x83: {  	_ =	shalt  }
0x84: {  	_ =	shalt  }
0x85: {  	_ =	shalt  }
0x86: {  	_ =	shalt  }
0x87: {  	_ =	shalt  }
.Lfunc_end0:
.L_simem_size_0:
called_computation_lowered:
.L_overlay_start_0:
0x88: {  	s2 =	sld [smem:$0x3FD9]  }
0x89: {  	s3 =	sld [smem:$0x3FFE];
	_ =	sdelay $0x1  }
0x8a: {  	s1 =	srdreg.scid  }
0x8b: {  	s0 =	sand.u32 $0x1, s1  }
0x8c: {  	s16 =	sshll.u32 s0, $0xA;
	s2 =	sadd.s32 s3, s2  }
0x8d: {  	s2 =	sadd.s32 s2, s16  }
0x8e: {  	[smem:$0x3FC6] =	sst s2  }
0x8f: {  	_ = 	snop  }
0x90: {  	(tm) =	ssettm $0x1  }
0x91: {  	s17 =	sld [smem:$0x3FFB];
	_ =	sdelay $0x3  }
0x92: {  	_ =	strace s17  }
0x93: {  	s2 =	sld [smem:$0x3FFC];
	_ =	sdelay $0x3  }
0x94: {  	_ =	strace s2  }
0x95: {  	s2 =	sld [smem:$0x3FFD];
	_ =	sdelay $0x3  }
0x96: {  	_ =	strace s2  }
0x97: {  	_ =	strace $0x8FFFFFFF  }
0x98: {  	s18 =	sld [smem:$0x3FDB];
	_ =	sdelay $0x1  }
0x99: {  	s19 =	simm.s32 $_scs_section_size  }
0x9a: {  	s4 =	simm.s32 $_size__tile_overlayer_lowered;
	s5 =	simm.s32 $_tile_overlayer_lowered  }
0x9b: {  	s22 =	simm.s32 $0x1BFF;
	s21 =	sshll.u32 s5, $0x1;
	s2 =	sadd.s32 s19, s18  }
0x9c: {  	s6 =	simm.s32 $0x0;
	s20 =	sshll.u32 s4, $0x1;
	s4 =	sadd.s32 s21, s2  }
0x9d: {  	[timem:s6], [sflag:s22] =	dma.local [hbm:s4], s20  }
0x9e: {  	_ =	swait.ge [sflag:s22], s20  }
0x9f: {  	s3 =	ssub.s32 $0x0, s20;
	[sflag:s22] =	ssyncset.done $0x0  }
0xa0: {  	[sflag:s22] =	ssyncadd.s32 s3;
	_ =	sdelay $0x1  }
0xa1: {  	s23 =	simm.s32 $0x1B8B  }
0xa2: {  	_ =	swait.ge [sflag:s23], $0x1  }
0xa3: {  	[sflag:s23] =	ssyncset.done $0x0  }
0xa4: {  	s25 =	simm.s32 $0x1B8E;
	s24 =	sld [smem:$0x3FFE];
	[sflag:s23] =	ssyncadd.s32 $0xFFFFFFFF  }
0xa5: {  	s26 =	simm.s32 $execute0_lowered;
	[smem:$0x3FD2] =	sst s25  }
0xa6: {  	s4 =	sshll.u32 s26, $0x1;
	_ =	strace $0x80000046;
	[dreg:$0x1] =	wrdreg $0xFFFFFFFF  }
0xa7: {  	s28 =	simm.s32 $_size_execute0_lowered;
	s2 =	sadd.s32 s2, s4;
	[dreg:$0x0] =	wrdreg $0x0  }
0xa8: {  	s4 =	sshll.u32 s28, $0x1;
	[dreg:$0x2] =	wrdreg s2  }
0xa9: {  	[dreg:$0x3] =	wrdreg s4  }
0xaa: {  	[dreg:$0x4] =	wrdreg $0xC0  }
0xab: {  	_ =	task [dreg:s6], $0x5FFFF  }
0xac: {  	[dreg:$0x1] =	wrdreg $0xFFFFFFFF  }
0xad: {  	[dreg:$0x0] =	wrdreg $0x60  }
0xae: {  	[dreg:$0x2] =	wrdreg s24  }
0xaf: {  	[dreg:$0x3] =	wrdreg $0x9  }
0xb0: {  	_ =	task.clear_ibuf [dreg:s6], $0x4FFFF;
	_ =	strace $0x90000046  }
0xb1: {  	s29 =	simm.s32 $0x9;
	_ =	strace $0x80000048  }
0xb2: {  	_ =	swait.ge [sflag:s29], $0x1  }
0xb3: {  	[sflag:s29] =	ssyncadd.s32 $0xFFFFFFFF  }
0xb4: {  	_ =	strace $0x90000048  }
0xb5: {  	_ =	sfence  }
0xb6: {  	s30 =	sld [smem:$0x0];
	_ =	sdelay $0x2  }
0xb7: {  	s31 =	sshll.u32 s1, $0xD;
	s1 =	sshrl.u32 s1, $0x2  }
0xb8: {  	s3 =	sand.u32 $0x4000, s31;
	s1 =	sadd.s32 s1, s30  }
0xb9: {  	s0 =	sor.u32 s3, s0;
	s1 =	sshll.u32 s1, $0x11  }
0xba: {  	s0 =	sor.u32 s1, s0  }
0xbb: {  	s0 =	sadd.s32 $0x8F2B, s0  }
0xbc: {  	[sflag:s0] =	ssyncadd.remote.s32 $0x1  }
0xbd: {  	_ =	sfence.sel $0xFFFF  }
0xbe: {  	[dreg:$0x0] =	wrdreg $0xFFFFFFFF;
	(pc) =	sbr.abs _section_cstart, $3  }
0xbf: {  	[dreg:$0x1] =	wrdreg $0xFFFFFFFF  }
0xc0: {  	_ =	task.clear_ibuf [dreg:s6], $0x2FFFF;
	_ =	strace $0x9FFFFFFF  }
0xc1: {  	(tm) =	ssettm $0x7FFFFFFF  }
tec
execute0_lowered:
.L_overlay_start_1:
0x0: {  	(tag) =	ssettag $0x1  }
0x1: {  	s3 =	rddreg [dreg:$0x0];
	s2 =	srdreg.scid  }
0x2: {  	s0 =	rddreg [dreg:$0x1];
	s1 =	stileid.u32;
	s8 =	simm.s32 $0x8000  }
0x3: {  	v0 =	vlaneseq.u32;
	s9 =	simm.s32 $0x1;
	s10 =	simm.s32 $0xC000;
	s11 =	simm.s32 $0x0  }
0x4: {  	s4 =	sand.u32 $0x1, s2;
	v1 =	vmul.u32 $0x80, v0;
	s2 =	simm.s32 $0x0;
	s5 =	sshll.u32 s1, $0x8;
	v3 =	vor.u32 $0x10, v0  }
0x5: {  	v5 =	vor.u32 $0x20, v0;
	v7 =	vor.u32 $0x30, v0;
	v9 =	vor.u32 $0x40, v0;
	s6 =	sshll.u32 s4, $0x7;
	[smem:$0x7FF] =	sst s2;
	s4 =	ssub.s32 $0x2, s4  }
0x6: {  	v16 =	vmul.u32 $0xFFFFFFFF, v0;
	v11 =	vor.u32 $0x50, v0;
	v13 =	vor.u32 $0x60, v0;
	s5 =	sor.u32 s6, s5;
	_ =	strace $0x80000047;
	s7 =	sshrl.u32 s4, $0x1  }
0x7: {  	v15 =	vor.u32 $0x70, v0;
	v2 =	vor.u32 $0x800, v1;
	v4 =	vor.u32 $0x1000, v1;
	s6 =	sshll.u32 s5, $0x4;
	s5 =	sadd.s32 s5, s3;
	s7 =	ssub.s32 s4, s7  }
0x8: {  	v6 =	vor.u32 $0x1800, v1;
	v8 =	vor.u32 $0x2000, v1;
	v10 =	vor.u32 $0x2800, v1;
	s6 =	sadd.s32 s6, s3;
	s3 =	sadd.s32 $0x21000, s5;
	s4 =	sadd.s32 $0x1000, s5  }
0x9: {  	v12 =	vor.u32 $0x3000, v1;
	v14 =	vor.u32 $0x3800, v1;
	v16 =	vadd.s32 $0xF, v16;
	s5 =	sadd.s32 $0x31000, s6;
	s6 =	smax.u32 s7, $0x1;
	s7 =	simm.s32 $0x400  }
.LBB2_1:
0xa: {  	v17 =	vmov s2  }
0xb: {  	[tilespmem:s8], [sflag:$0x1] =	stream.strided.gather [hbm4b:s3+s7], $0x4000, s8, s7, $0x38;
	v17 =	vand.u32 $0x7F, v17;
	[tilespmem:$0x10000] =	vst v63  }
0xc: {  	_ =	swait.ge [sflag:s9], $0x4000;
	v17 =	vbroadcast v17, $0x0  }
0xd: {  	[sflag:s9] =	ssyncset.done $0x0  }
0xe: {  	[sflag:s9] =	ssyncadd.s32 $0xFFFFC000;
	v18 =	vor.u32 v8, v17  }
0xf: {  	[tilespmem:s2], [sflag:$0x1] =	stream.strided.gather [hbm4b:s4+s7], $0x8000, s8, s7, $0x38;
	v19 =	vor.u32 v12, v17;
	[tilespmem:$0x10000] =	vst v63  }
0x10: {  	v20 =	vor.u32 v14, v17;
	_ =	swait.ge [sflag:s9], $0x8000  }
0x11: {  	v21 =	vor.u32 v10, v17;
	[sflag:s9] =	ssyncset.done $0x0  }
0x12: {  	[sflag:s9] =	ssyncadd.s32 $0xFFFF8000  }
0x13: {  	v22 =	vor.u32 v6, v17;
	v18 =	vld.idx.msk [tilespmem:v18+s8+$0x0], $0xffff  }
0x14: {  	v23 =	vor.u32 v4, v17;
	v19 =	vld.idx.msk [tilespmem:v19+s8+$0x0], $0xffff  }
0x15: {  	v24 =	vor.u32 v2, v17;
	v20 =	vld.idx.msk [tilespmem:v20+s8+$0x0], $0xffff  }
0x16: {  	v21 =	vld.idx.msk [tilespmem:v21+s8+$0x0], $0xffff  }
0x17: {  	v25 =	vor.u32 v1, v17  }
0x18: {  	v22 =	vld.idx.msk [tilespmem:v22+s8+$0x0], $0xffff;
	v18 =	vand.u32 $0xFFFFFF80, v18  }
0x19: {  	v23 =	vld.idx.msk [tilespmem:v23+s8+$0x0], $0xffff;
	v19 =	vand.u32 $0xFFFFFF80, v19;
	v18 =	vor.u32 v9, v18  }
0x1a: {  	v24 =	vld.idx.msk [tilespmem:v24+s8+$0x0], $0xffff;
	v20 =	vand.u32 $0xFFFFFF80, v20;
	v19 =	vor.u32 v13, v19;
	(xrf1) =	vsort.ascd.msk.f32 $0xffff, v18, v18  }
0x1b: {  	v21 =	vand.u32 $0xFFFFFF80, v21;
	v20 =	vor.u32 v15, v20;
	(xrf1) =	vsort.ascd.msk.f32 $0xffff, v19, v19  }
0x1c: {  	v21 =	vor.u32 v11, v21;
	v18 =	vld.idx.msk [tilespmem:v25+s8+$0x0], $0xffff;
	(xrf1) =	vsort.ascd.msk.f32 $0xffff, v20, v20  }
0x1d: {  	v19 =	vand.u32 $0xFFFFFF80, v22;
	(xrf1) =	vsort.ascd.msk.f32 $0xffff, v21, v21  }
0x1e: {  	v43 =	vand.u32 $0xFFFFFF80, v23;
	v19 =	vor.u32 v7, v19  }
0x1f: {  	v44 =	vand.u32 $0xFFFFFF80, v24;
	v20 =	vor.u32 v5, v43;
	(xrf1) =	vsort.ascd.msk.f32 $0xffff, v19, v19  }
0x20: {  	v19 =	vor.u32 v3, v44;
	(xrf1) =	vsort.ascd.msk.f32 $0xffff, v20, v20  }
0x21: {  	v18 =	vand.u32 $0xFFFFFF80, v18;
	(xrf1) =	vsort.ascd.msk.f32 $0xffff, v19, v19  }
0x22: {  	v18 =	vor.u32 v0, v18  }
0x23: {  	(xrf1) =	vsort.ascd.msk.f32 $0xffff, v18, v18;
	_ =	sdelay $0x4  }
0x24: {  	v18, _, _ =	vpop (xrf1)  }
0x25: {  	v19, _, _ =	vpop (xrf1)  }
0x26: {  	v45, _, _ =	vpop (xrf1)  }
0x27: {  	v46, _, _ =	vpop (xrf1)  }
0x28: {  	v20 =	vperm.xlane v45, v16;
	v21 =	vperm.xlane v46, v16  }
0x29: {  	v47, _, _ =	vpop (xrf1)  }
0x2a: {  	v22 =	vperm.xlane v47, v16;
	v19 =	vmin.f32 v19, v20;
	v48, _, _ =	vpop (xrf1);
	v18 =	vmin.f32 v18, v21  }
0x2b: {  	v49, _, _ =	vpop (xrf1);
	(xrf1) =	vsort.ascd.msk.f32 $0xffff, v19, v19  }
0x2c: {  	v19 =	vperm.xlane v49, v16;
	v20 =	vmin.f32 v48, v22;
	(xrf1) =	vsort.ascd.msk.f32 $0xffff, v18, v18  }
0x2d: {  	(xrf1) =	vsort.ascd.msk.f32 $0xffff, v20, v20;
	v18, _, _ =	vpop (xrf1)  }
0x2e: {  	v18 =	vmin.f32 v18, v19  }
0x2f: {  	(xrf1) =	vsort.ascd.msk.f32 $0xffff, v18, v18;
	_ =	sdelay $0x9  }
0x30: {  	v18, _, _ =	vpop (xrf1)  }
0x31: {  	v18 =	vperm.xlane v18, v16;
	v19, _, _ =	vpop (xrf1)  }
0x32: {  	v20, _, _ =	vpop (xrf1)  }
0x33: {  	v20 =	vperm.xlane v20, v16;
	v18 =	vmin.f32 v19, v18  }
0x34: {  	(xrf1) =	vsort.ascd.msk.f32 $0xffff, v18, v18;
	v19, _, _ =	vpop (xrf1)  }
0x35: {  	v18 =	vmin.f32 v19, v20  }
0x36: {  	(xrf1) =	vsort.ascd.msk.f32 $0xffff, v18, v18;
	_ =	sdelay $0xb  }
0x37: {  	v18, _, _ =	vpop (xrf1)  }
0x38: {  	v18 =	vperm.xlane v18, v16  }
0x39: {  	v19, _, _ =	vpop (xrf1)  }
0x3a: {  	v18 =	vmin.f32 v19, v18  }
0x3b: {  	(xrf1) =	vsort.ascd.msk.f32 $0xffff, v18, v18;
	_ =	sdelay $0xd  }
0x3c: {  	v18, _, _ =	vpop (xrf1)  }
0x3d: {  	v18 =	vshll.u32 v18, $0x8  }
0x3e: {  	v18 =	vand.u32 $0x7F00, v18  }
0x3f: {  	v17 =	vor.u32 v17, v18  }
0x40: {  	v18 =	vor.u32 $0x80, v17;
	_ =	sdelay $0x4  }
0x41: {  	v18 =	vld.idx.msk [tilespmem:v18+s2+$0x0], $0xffff;
	_ =	sdelay $0x1  }
0x42: {  	v17 =	vld.idx.msk [tilespmem:v17+s2+$0x0], $0xffff;
	_ =	sdelay $0x2  }
0x43: {  	(xrf1) =	vsort.ascd.msk.f32 $0xffff, v18, v18;
	_ =	sdelay $0x1  }
0x44: {  	(xrf1) =	vsort.ascd.msk.f32 $0xffff, v17, v17;
	_ =	sdelay $0xb  }
0x45: {  	v17, _, _ =	vpop (xrf1)  }
0x46: {  	v17 =	vperm.xlane v17, v16  }
0x47: {  	v18, _, _ =	vpop (xrf1)  }
0x48: {  	v17 =	vmin.f32 v18, v17  }
0x49: {  	(xrf1) =	vsort.ascd.msk.f32 $0xffff, v17, v17;
	_ =	sdelay $0x5  }
0x4a: {  	s12 =	simm.s32 $0x1  }
0x4b: {  	v17 =	vmov s12  }
0x4c: {  	v17 =	vand.u32 $0x7F, v17  }
0x4d: {  	v17 =	vbroadcast v17, $0x0;
	_ =	sdelay $0x1  }
0x4e: {  	v18 =	vor.u32 v8, v17  }
0x4f: {  	v19 =	vor.u32 v12, v17  }
0x50: {  	v50 =	vor.u32 v14, v17  }
0x51: {  	v51 =	vor.u32 v10, v17;
	v52, _, _ =	vpop (xrf1)  }
0x52: {  	[tilespmem:s10+$0x0] =	vst v52  }
0x53: {  	v53 =	vor.u32 v6, v17;
	v18 =	vld.idx.msk [tilespmem:v18+s8+$0x0], $0xffff  }
0x54: {  	v54 =	vor.u32 v4, v17;
	v19 =	vld.idx.msk [tilespmem:v19+s8+$0x0], $0xffff  }
0x55: {  	v55 =	vor.u32 v2, v17;
	v20 =	vld.idx.msk [tilespmem:v50+s8+$0x0], $0xffff  }
0x56: {  	v21 =	vld.idx.msk [tilespmem:v51+s8+$0x0], $0xffff  }
0x57: {  	v56 =	vor.u32 v1, v17  }
0x58: {  	v23 =	vld.idx.msk [tilespmem:v53+s8+$0x0], $0xffff;
	v18 =	vand.u32 $0xFFFFFF80, v18  }
0x59: {  	v22 =	vld.idx.msk [tilespmem:v54+s8+$0x0], $0xffff;
	v19 =	vand.u32 $0xFFFFFF80, v19;
	v18 =	vor.u32 v9, v18  }
0x5a: {  	v24 =	vld.idx.msk [tilespmem:v55+s8+$0x0], $0xffff;
	v20 =	vand.u32 $0xFFFFFF80, v20;
	v19 =	vor.u32 v13, v19;
	(xrf1) =	vsort.ascd.msk.f32 $0xffff, v18, v18  }
0x5b: {  	v21 =	vand.u32 $0xFFFFFF80, v21;
	v20 =	vor.u32 v15, v20;
	(xrf1) =	vsort.ascd.msk.f32 $0xffff, v19, v19  }
0x5c: {  	v21 =	vor.u32 v11, v21;
	v18 =	vld.idx.msk [tilespmem:v56+s8+$0x0], $0xffff;
	(xrf1) =	vsort.ascd.msk.f32 $0xffff, v20, v20  }
0x5d: {  	v19 =	vand.u32 $0xFFFFFF80, v23;
	(xrf1) =	vsort.ascd.msk.f32 $0xffff, v21, v21  }
0x5e: {  	v57 =	vand.u32 $0xFFFFFF80, v22;
	v19 =	vor.u32 v7, v19  }
0x5f: {  	v58 =	vand.u32 $0xFFFFFF80, v24;
	v20 =	vor.u32 v5, v57;
	(xrf1) =	vsort.ascd.msk.f32 $0xffff, v19, v19  }
0x60: {  	v19 =	vor.u32 v3, v58;
	(xrf1) =	vsort.ascd.msk.f32 $0xffff, v20, v20  }
0x61: {  	v18 =	vand.u32 $0xFFFFFF80, v18;
	(xrf1) =	vsort.ascd.msk.f32 $0xffff, v19, v19  }
0x62: {  	v18 =	vor.u32 v0, v18  }
0x63: {  	(xrf1) =	vsort.ascd.msk.f32 $0xffff, v18, v18;
	_ =	sdelay $0x4  }
0x64: {  	v18, _, _ =	vpop (xrf1)  }
0x65: {  	v19, _, _ =	vpop (xrf1)  }
0x66: {  	v59, _, _ =	vpop (xrf1)  }
0x67: {  	v60, _, _ =	vpop (xrf1)  }
0x68: {  	v20 =	vperm.xlane v59, v16;
	v21 =	vperm.xlane v60, v16  }
0x69: {  	v61, _, _ =	vpop (xrf1)  }
0x6a: {  	v22 =	vperm.xlane v61, v16;
	v19 =	vmin.f32 v19, v20;
	v62, _, _ =	vpop (xrf1);
	v18 =	vmin.f32 v18, v21  }
0x6b: {  	v63, _, _ =	vpop (xrf1);
	(xrf1) =	vsort.ascd.msk.f32 $0xffff, v19, v19  }
0x6c: {  	v19 =	vperm.xlane v63, v16;
	v20 =	vmin.f32 v62, v22;
	(xrf1) =	vsort.ascd.msk.f32 $0xffff, v18, v18  }
0x6d: {  	(xrf1) =	vsort.ascd.msk.f32 $0xffff, v20, v20;
	v18, _, _ =	vpop (xrf1)  }
0x6e: {  	v18 =	vmin.f32 v18, v19  }
0x6f: {  	(xrf1) =	vsort.ascd.msk.f32 $0xffff, v18, v18;
	_ =	sdelay $0x9  }
0x70: {  	v18, _, _ =	vpop (xrf1)  }
0x71: {  	v18 =	vperm.xlane v18, v16;
	v19, _, _ =	vpop (xrf1)  }
0x72: {  	v20, _, _ =	vpop (xrf1)  }
0x73: {  	v20 =	vperm.xlane v20, v16;
	v18 =	vmin.f32 v19, v18  }
0x74: {  	(xrf1) =	vsort.ascd.msk.f32 $0xffff, v18, v18;
	v19, _, _ =	vpop (xrf1)  }
0x75: {  	v18 =	vmin.f32 v19, v20  }
0x76: {  	(xrf1) =	vsort.ascd.msk.f32 $0xffff, v18, v18;
	_ =	sdelay $0xb  }
0x77: {  	v18, _, _ =	vpop (xrf1)  }
0x78: {  	v18 =	vperm.xlane v18, v16  }
0x79: {  	v19, _, _ =	vpop (xrf1)  }
0x7a: {  	v18 =	vmin.f32 v19, v18  }
0x7b: {  	(xrf1) =	vsort.ascd.msk.f32 $0xffff, v18, v18;
	_ =	sdelay $0xd  }
0x7c: {  	v18, _, _ =	vpop (xrf1)  }
0x7d: {  	v18 =	vshll.u32 v18, $0x8  }
0x7e: {  	v18 =	vand.u32 $0x7F00, v18  }
0x7f: {  	v17 =	vor.u32 v17, v18  }
0x80: {  	v18 =	vor.u32 $0x80, v17;
	_ =	sdelay $0x4  }
0x81: {  	v18 =	vld.idx.msk [tilespmem:v18+s2+$0x0], $0xffff;
	_ =	sdelay $0x1  }
0x82: {  	v17 =	vld.idx.msk [tilespmem:v17+s2+$0x0], $0xffff;
	_ =	sdelay $0x2  }
0x83: {  	(xrf1) =	vsort.ascd.msk.f32 $0xffff, v18, v18;
	_ =	sdelay $0x1  }
0x84: {  	(xrf1) =	vsort.ascd.msk.f32 $0xffff, v17, v17;
	_ =	sdelay $0xb  }
0x85: {  	v17, _, _ =	vpop (xrf1)  }
0x86: {  	v17 =	vperm.xlane v17, v16  }
0x87: {  	v18, _, _ =	vpop (xrf1)  }
0x88: {  	v17 =	vmin.f32 v18, v17  }
0x89: {  	(xrf1) =	vsort.ascd.msk.f32 $0xffff, v17, v17;
	_ =	sdelay $0x5  }
0x8a: {  	s31 =	simm.s32 $0x2  }
0x8b: {  	v19 =	vmov s31  }
0x8c: {  	v18 =	vand.u32 $0x7F, v19  }
0x8d: {  	s13 =	simm.s32 $0x3;
	s12 =	simm.s32 $0xC000;
	v17 =	vbroadcast v18, $0x0  }
.LBB2_2:
0x8e: {  	p0 =	sne.s32 s13, $0x7F  }
0x8f: {  	v18 =	vor.u32 v8, v17  }
0x90: {  	v19 =	vor.u32 v12, v17  }
0x91: {  	v20 =	vor.u32 v14, v17  }
0x92: {  	s12 =	sadd.s32 $0x80, s12;
	v21 =	vor.u32 v10, v17;
	v22, _, _ =	vpop (xrf1)  }
0x93: {  	v23 =	vor.u32 v6, v17;
	[tilespmem:s12+$0x0] =	vst v22  }
0x94: {  	v22 =	vor.u32 v4, v17;
	v18 =	vld.idx.msk [tilespmem:v18+s8+$0x0], $0xffff  }
0x95: {  	v24 =	vor.u32 v2, v17;
	v19 =	vld.idx.msk [tilespmem:v19+s8+$0x0], $0xffff  }
0x96: {  	v20 =	vld.idx.msk [tilespmem:v20+s8+$0x0], $0xffff  }
0x97: {  	v25 =	vor.u32 v1, v17;
	v21 =	vld.idx.msk [tilespmem:v21+s8+$0x0], $0xffff  }
0x98: {  	v23 =	vld.idx.msk [tilespmem:v23+s8+$0x0], $0xffff  }
0x99: {  	v22 =	vld.idx.msk [tilespmem:v22+s8+$0x0], $0xffff  }
0x9a: {  	v18 =	vand.u32 $0xFFFFFF80, v18;
	v24 =	vld.idx.msk [tilespmem:v24+s8+$0x0], $0xffff  }
0x9b: {  	v18 =	vor.u32 v9, v18;
	v19 =	vand.u32 $0xFFFFFF80, v19  }
0x9c: {  	v19 =	vor.u32 v13, v19;
	v20 =	vand.u32 $0xFFFFFF80, v20;
	v25 =	vld.idx.msk [tilespmem:v25+s8+$0x0], $0xffff;
	(xrf1) =	vsort.ascd.msk.f32 $0xffff, v18, v18  }
0x9d: {  	v18 =	vand.u32 $0xFFFFFF80, v21;
	v20 =	vor.u32 v15, v20;
	(xrf1) =	vsort.ascd.msk.f32 $0xffff, v19, v19  }
0x9e: {  	v19 =	vand.u32 $0xFFFFFF80, v23;
	v18 =	vor.u32 v11, v18;
	(xrf1) =	vsort.ascd.msk.f32 $0xffff, v20, v20  }
0x9f: {  	v20 =	vand.u32 $0xFFFFFF80, v22;
	v19 =	vor.u32 v7, v19;
	(xrf1) =	vsort.ascd.msk.f32 $0xffff, v18, v18  }
0xa0: {  	v18 =	vand.u32 $0xFFFFFF80, v24;
	v20 =	vor.u32 v5, v20;
	(xrf1) =	vsort.ascd.msk.f32 $0xffff, v19, v19  }
0xa1: {  	v18 =	vor.u32 v3, v18;
	(xrf1) =	vsort.ascd.msk.f32 $0xffff, v20, v20  }
0xa2: {  	v19 =	vand.u32 $0xFFFFFF80, v25;
	(xrf1) =	vsort.ascd.msk.f32 $0xffff, v18, v18  }
0xa3: {  	v18 =	vor.u32 v0, v19  }
0xa4: {  	(xrf1) =	vsort.ascd.msk.f32 $0xffff, v18, v18;
	_ =	sdelay $0x5  }
0xa5: {  	v18, _, _ =	vpop (xrf1)  }
0xa6: {  	v19, _, _ =	vpop (xrf1)  }
0xa7: {  	v20, _, _ =	vpop (xrf1)  }
0xa8: {  	v23 =	vperm.xlane v20, v16;
	v21, _, _ =	vpop (xrf1)  }
0xa9: {  	v24 =	vperm.xlane v21, v16;
	v22, _, _ =	vpop (xrf1)  }
0xaa: {  	v22 =	vperm.xlane v22, v16;
	v19 =	vmin.f32 v19, v23;
	v20, _, _ =	vpop (xrf1)  }
0xab: {  	v23 =	vmin.f32 v18, v24;
	v21, _, _ =	vpop (xrf1);
	(xrf1) =	vsort.ascd.msk.f32 $0xffff, v19, v19  }
0xac: {  	v19 =	vperm.xlane v21, v16;
	v20 =	vmin.f32 v20, v22;
	(xrf1) =	vsort.ascd.msk.f32 $0xffff, v23, v23  }
0xad: {  	v18, _, _ =	vpop (xrf1);
	(xrf1) =	vsort.ascd.msk.f32 $0xffff, v20, v20  }
0xae: {  	v18 =	vmin.f32 v18, v19  }
0xaf: {  	(xrf1) =	vsort.ascd.msk.f32 $0xffff, v18, v18;
	_ =	sdelay $0x9  }
0xb0: {  	v18, _, _ =	vpop (xrf1)  }
0xb1: {  	v18 =	vperm.xlane v18, v16;
	v19, _, _ =	vpop (xrf1)  }
0xb2: {  	v20, _, _ =	vpop (xrf1)  }
0xb3: {  	v20 =	vperm.xlane v20, v16;
	v18 =	vmin.f32 v19, v18  }
0xb4: {  	v19, _, _ =	vpop (xrf1);
	(xrf1) =	vsort.ascd.msk.f32 $0xffff, v18, v18  }
0xb5: {  	v18 =	vmin.f32 v19, v20  }
0xb6: {  	(xrf1) =	vsort.ascd.msk.f32 $0xffff, v18, v18;
	_ =	sdelay $0xb  }
0xb7: {  	v18, _, _ =	vpop (xrf1)  }
0xb8: {  	v18 =	vperm.xlane v18, v16  }
0xb9: {  	v19, _, _ =	vpop (xrf1)  }
0xba: {  	v18 =	vmin.f32 v19, v18  }
0xbb: {  	(xrf1) =	vsort.ascd.msk.f32 $0xffff, v18, v18;
	_ =	sdelay $0xd  }
0xbc: {  	v18, _, _ =	vpop (xrf1)  }
0xbd: {  	v18 =	vshll.u32 v18, $0x8  }
0xbe: {  	v18 =	vand.u32 $0x7F00, v18  }
0xbf: {  	v17 =	vor.u32 v17, v18  }
0xc0: {  	v18 =	vor.u32 $0x80, v17;
	_ =	sdelay $0x4  }
0xc1: {  	v18 =	vld.idx.msk [tilespmem:v18+s2+$0x0], $0xffff;
	_ =	sdelay $0x1  }
0xc2: {  	v17 =	vld.idx.msk [tilespmem:v17+s2+$0x0], $0xffff;
	_ =	sdelay $0x3  }
0xc3: {  	(xrf1) =	vsort.ascd.msk.f32 $0xffff, v18, v18;
	_ =	sdelay $0x1  }
0xc4: {  	(xrf1) =	vsort.ascd.msk.f32 $0xffff, v17, v17;
	_ =	sdelay $0xb  }
0xc5: {  	v17, _, _ =	vpop (xrf1)  }
0xc6: {  	v17 =	vperm.xlane v17, v16  }
0xc7: {  	v18, _, _ =	vpop (xrf1)  }
0xc8: {  	v17 =	vmin.f32 v18, v17  }
0xc9: {  	(xrf1) =	vsort.ascd.msk.f32 $0xffff, v17, v17;
	_ =	sdelay $0x4  }
.Ltmp0:
0xca: {  	(pc) =	sbr.rel @p0 .LBB2_2-.Ltmp0, $4  }
0xcb: {  	_ = 	snop  }
0xcc: {  	v17 =	vmov s13  }
0xcd: {  	v17 =	vand.u32 $0x7F, v17  }
0xce: {  	s13 =	sadd.s32 $0x1, s13;
	v17 =	vbroadcast v17, $0x0  }
0xcf: {  	_ = 	snop  }
0xd0: {  	v18 =	vor.u32 v8, v17  }
0xd1: {  	v19 =	vor.u32 v12, v17  }
0xd2: {  	v20 =	vor.u32 v14, v17  }
0xd3: {  	s12 =	sadd.s32 $0x80, s12;
	v21 =	vor.u32 v10, v17;
	v22, _, _ =	vpop (xrf1)  }
0xd4: {  	[tilespmem:s12+$0x0] =	vst v22  }
0xd5: {  	v23 =	vor.u32 v6, v17;
	v18 =	vld.idx.msk [tilespmem:v18+s8+$0x0], $0xffff  }
0xd6: {  	v56 =	vor.u32 v4, v17;
	v19 =	vld.idx.msk [tilespmem:v19+s8+$0x0], $0xffff  }
0xd7: {  	v24 =	vor.u32 v2, v17;
	v20 =	vld.idx.msk [tilespmem:v20+s8+$0x0], $0xffff  }
0xd8: {  	v21 =	vld.idx.msk [tilespmem:v21+s8+$0x0], $0xffff  }
0xd9: {  	v25 =	vor.u32 v1, v17  }
0xda: {  	v23 =	vld.idx.msk [tilespmem:v23+s8+$0x0], $0xffff;
	v18 =	vand.u32 $0xFFFFFF80, v18  }
0xdb: {  	v22 =	vld.idx.msk [tilespmem:v56+s8+$0x0], $0xffff;
	v19 =	vand.u32 $0xFFFFFF80, v19;
	v18 =	vor.u32 v9, v18  }
0xdc: {  	v24 =	vld.idx.msk [tilespmem:v24+s8+$0x0], $0xffff;
	v20 =	vand.u32 $0xFFFFFF80, v20;
	v19 =	vor.u32 v13, v19;
	(xrf1) =	vsort.ascd.msk.f32 $0xffff, v18, v18  }
0xdd: {  	v21 =	vand.u32 $0xFFFFFF80, v21;
	v20 =	vor.u32 v15, v20;
	(xrf1) =	vsort.ascd.msk.f32 $0xffff, v19, v19  }
0xde: {  	v21 =	vor.u32 v11, v21;
	v18 =	vld.idx.msk [tilespmem:v25+s8+$0x0], $0xffff;
	(xrf1) =	vsort.ascd.msk.f32 $0xffff, v20, v20  }
0xdf: {  	v19 =	vand.u32 $0xFFFFFF80, v23;
	(xrf1) =	vsort.ascd.msk.f32 $0xffff, v21, v21  }
0xe0: {  	v57 =	vand.u32 $0xFFFFFF80, v22;
	v19 =	vor.u32 v7, v19  }
0xe1: {  	v58 =	vand.u32 $0xFFFFFF80, v24;
	v20 =	vor.u32 v5, v57;
	(xrf1) =	vsort.ascd.msk.f32 $0xffff, v19, v19  }
0xe2: {  	v19 =	vor.u32 v3, v58;
	(xrf1) =	vsort.ascd.msk.f32 $0xffff, v20, v20  }
0xe3: {  	v18 =	vand.u32 $0xFFFFFF80, v18;
	(xrf1) =	vsort.ascd.msk.f32 $0xffff, v19, v19  }
0xe4: {  	v18 =	vor.u32 v0, v18  }
0xe5: {  	(xrf1) =	vsort.ascd.msk.f32 $0xffff, v18, v18;
	_ =	sdelay $0x4  }
0xe6: {  	v18, _, _ =	vpop (xrf1)  }
0xe7: {  	v19, _, _ =	vpop (xrf1)  }
0xe8: {  	v59, _, _ =	vpop (xrf1)  }
0xe9: {  	v60, _, _ =	vpop (xrf1)  }
0xea: {  	v20 =	vperm.xlane v59, v16;
	v21 =	vperm.xlane v60, v16  }
0xeb: {  	v61, _, _ =	vpop (xrf1)  }
0xec: {  	v22 =	vperm.xlane v61, v16;
	v19 =	vmin.f32 v19, v20;
	v62, _, _ =	vpop (xrf1);
	v18 =	vmin.f32 v18, v21  }
0xed: {  	v63, _, _ =	vpop (xrf1);
	(xrf1) =	vsort.ascd.msk.f32 $0xffff, v19, v19  }
0xee: {  	v19 =	vperm.xlane v63, v16;
	v20 =	vmin.f32 v62, v22;
	(xrf1) =	vsort.ascd.msk.f32 $0xffff, v18, v18  }
0xef: {  	(xrf1) =	vsort.ascd.msk.f32 $0xffff, v20, v20;
	v18, _, _ =	vpop (xrf1)  }
0xf0: {  	v18 =	vmin.f32 v18, v19  }
0xf1: {  	(xrf1) =	vsort.ascd.msk.f32 $0xffff, v18, v18;
	_ =	sdelay $0x9  }
0xf2: {  	v18, _, _ =	vpop (xrf1)  }
0xf3: {  	v18 =	vperm.xlane v18, v16;
	v19, _, _ =	vpop (xrf1)  }
0xf4: {  	v20, _, _ =	vpop (xrf1)  }
0xf5: {  	v20 =	vperm.xlane v20, v16;
	v18 =	vmin.f32 v19, v18  }
0xf6: {  	(xrf1) =	vsort.ascd.msk.f32 $0xffff, v18, v18;
	v19, _, _ =	vpop (xrf1)  }
0xf7: {  	v18 =	vmin.f32 v19, v20  }
0xf8: {  	(xrf1) =	vsort.ascd.msk.f32 $0xffff, v18, v18;
	_ =	sdelay $0xb  }
0xf9: {  	v18, _, _ =	vpop (xrf1)  }
0xfa: {  	v18 =	vperm.xlane v18, v16  }
0xfb: {  	v19, _, _ =	vpop (xrf1)  }
0xfc: {  	v18 =	vmin.f32 v19, v18  }
0xfd: {  	(xrf1) =	vsort.ascd.msk.f32 $0xffff, v18, v18;
	_ =	sdelay $0xd  }
0xfe: {  	v18, _, _ =	vpop (xrf1)  }
0xff: {  	v18 =	vshll.u32 v18, $0x8  }
0x100: {  	v18 =	vand.u32 $0x7F00, v18  }
0x101: {  	v17 =	vor.u32 v17, v18  }
0x102: {  	v18 =	vor.u32 $0x80, v17;
	_ =	sdelay $0x4  }
0x103: {  	v18 =	vld.idx.msk [tilespmem:v18+s2+$0x0], $0xffff;
	_ =	sdelay $0x1  }
0x104: {  	v17 =	vld.idx.msk [tilespmem:v17+s2+$0x0], $0xffff;
	_ =	sdelay $0x2  }
0x105: {  	(xrf1) =	vsort.ascd.msk.f32 $0xffff, v18, v18;
	_ =	sdelay $0x1  }
0x106: {  	(xrf1) =	vsort.ascd.msk.f32 $0xffff, v17, v17;
	_ =	sdelay $0xb  }
0x107: {  	v17, _, _ =	vpop (xrf1)  }
0x108: {  	v17 =	vperm.xlane v17, v16  }
0x109: {  	v18, _, _ =	vpop (xrf1)  }
0x10a: {  	v17 =	vmin.f32 v18, v17  }
0x10b: {  	(xrf1) =	vsort.ascd.msk.f32 $0xffff, v17, v17;
	_ =	sdelay $0xc  }
0x10c: {  	s11 =	sadd.s32 $0x1, s11  }
0x10d: {  	p0 =	sne.s32 s11, s6;
	s12 =	sadd.s32 $0x80, s12;
	v17, _, _ =	vpop (xrf1)  }
.Ltmp1:
0x10e: {  	[tilespmem:s12+$0x0] =	vst v17;
	(pc) =	sbr.rel @p0 .LBB2_1-.Ltmp1, $4  }
0x10f: {  	[hbm4b:s5+s2] =	stream.linear.scatter [tilespmem:s10], [sflag:$0x1], $0x4000, $0x38;
	[tilespmem:$0x10000] =	vst v63  }
0x110: {  	_ =	swait.ge [sflag:s9], $0x4000  }
0x111: {  	[sflag:s9] =	ssyncset.done $0x0  }
0x112: {  	[sflag:s9] =	ssyncadd.s32 $0xFFFFC000  }
0x113: {  	_ =	sfence.sel $0x180000  }
0x114: {  	[bflag:$0x0] =	sbarrier.arrive $0xFFFF  }
0x115: {  	p0 =	sne.s32 s1, $0x0;
	_ =	strace $0x90000047  }
0x116: {  	s0 =	sadd.s32 @!p0 $0x100000, s0;
	[bflag:$0x2] =	sbarrier.arrive $0xFFFF  }
0x117: {  	[sflag:s0] =	ssyncadd.tile.s32 @!p0 $0x1;
	_ =	shalt  }
.Lfunc_end2:
_tile_overlayer_lowered:
.L_overlay_start_2:
0x118: {  	(tag) =	ssettag $0x2  }
0x119: {  	s0 =	rddreg [dreg:$0x0];
	s2 =	stileid.u32  }
0x11a: {  	s1 =	rddreg [dreg:$0x1];
	p0 =	sne.s32 s2, $0x0  }
0x11b: {  	s3 =	rddreg [dreg:$0x2];
	[bflag:$0x3] =	sbarrier.arrive $0xFFFF;
	s2 =	simm.s32 @!p0 $0x1C01  }
0x11c: {  	[timem:s3], [sflag:s2] =	dma.local @!p0 [hbm:s0], s1  }
0x11d: {  	s0 =	simm.s32 @!p0 $0x1  }
0x11e: {  	_ =	swait.ge @!p0 [sflag:s0], s1  }
0x11f: {  	s1 =	ssub.s32 @!p0 $0x0, s1;
	[sflag:s0] =	ssyncset.done @!p0 $0x0  }
0x120: {  	[sflag:s0] =	ssyncadd.s32 @!p0 s1  }
0x121: {  	[bflag:$0x3] =	sbarrier.arrive $0xFFFF  }
0x122: {  	_ =	shalt  }

</sc_bundles>
